<compile_context>
chip_gen: v7x
topology: tpu7x:2x2x1
jax: 0.10.2.dev20260603
libtpu: 0.0.44.dev20260713+nightly
codegen_flags: <defaults>
</compile_context>

<pallas_src>
import dataclasses

import jax
import jax.numpy as jnp
from jax import lax
from jax.experimental import pallas as pl
from jax.experimental.pallas import tpu as pltpu
from jax.experimental.pallas import tpu_sc as plsc
from jax._src.pallas.core import CoreMemorySpace as _CoreMemorySpace

_NC, _NS = 2, 16
_NW = _NC * _NS
_SEQ = 8192
_DIM = 2048

_TEC_ROWS = 5120
_T_ROWS_PER_W = _TEC_ROWS // _NW
_T_CHUNK = 16
_T_NCHUNKS = _T_ROWS_PER_W // _T_CHUNK
_T_NBUF = 2

_SCS_ROWS = _SEQ - _TEC_ROWS
_S_ROWS_PER_C = _SCS_ROWS // _NC
_S_CHUNK = 256
_S_NCHUNKS = _S_ROWS_PER_C // _S_CHUNK
_S_NBUF = 2


def _pipeline(cp_in, cp_out, nchunks, nbuf):
    for c in range(nbuf):
        cp_in(c).start()
    for c in range(nchunks):
        cp_in(c).wait()
        cp_out(c).start()
        if c + nbuf < nchunks:
            cp_out(c).wait()
            cp_in(c + nbuf).start()
    for c in range(max(0, nchunks - nbuf), nchunks):
        cp_out(c).wait()


def _tec_fn(w_hbm, out_hbm, t_buf, t_sems, s_buf, s_sems):
    del s_buf, s_sems
    wid = lax.axis_index("s") * _NC + lax.axis_index("c")
    base = wid * _T_ROWS_PER_W

    def cp_in(c):
        return pltpu.make_async_copy(
            w_hbm.at[pl.ds(base + c * _T_CHUNK, _T_CHUNK), :],
            t_buf.at[c % _T_NBUF],
            t_sems.at[c % _T_NBUF],
        )

    def cp_out(c):
        return pltpu.make_async_copy(
            t_buf.at[c % _T_NBUF],
            out_hbm.at[pl.ds(base + c * _T_CHUNK, _T_CHUNK), :],
            t_sems.at[_T_NBUF + c % _T_NBUF],
        )

    _pipeline(cp_in, cp_out, _T_NCHUNKS, _T_NBUF)


def _scs_fn(w_hbm, out_hbm, t_buf, t_sems, s_buf, s_sems):
    del t_buf, t_sems
    cid = lax.axis_index("c")
    base = _TEC_ROWS + cid * _S_ROWS_PER_C

    def cp_in(c):
        return pltpu.make_async_copy(
            w_hbm.at[pl.ds(base + c * _S_CHUNK, _S_CHUNK), :],
            s_buf.at[c % _S_NBUF],
            s_sems.at[c % _S_NBUF],
        )

    def cp_out(c):
        return pltpu.make_async_copy(
            s_buf.at[c % _S_NBUF],
            out_hbm.at[pl.ds(base + c * _S_CHUNK, _S_CHUNK), :],
            s_sems.at[_S_NBUF + c % _S_NBUF],
        )

    _pipeline(cp_in, cp_out, _S_NCHUNKS, _S_NBUF)


def _core_typed_sem(n_sems, mesh):
    sem = pltpu.SemaphoreType.DMA((n_sems,))
    return dataclasses.replace(
        sem,
        memory_space=_CoreMemorySpace(pltpu.MemorySpace.SEMAPHORE, mesh),
    )


def kernel(x, emb_weight):
    seq_len = x.shape[1]
    dim = emb_weight.shape[1]
    scalar_mesh = plsc.ScalarSubcoreMesh(axis_name="c", num_cores=_NC)
    vector_mesh = plsc.VectorSubcoreMesh(core_axis_name="c", subcore_axis_name="s")
    k = pl.kernel(
        [_scs_fn, _tec_fn],
        jax.ShapeDtypeStruct((seq_len, dim), emb_weight.dtype),
        mesh=[scalar_mesh, vector_mesh],
        scratch_types=[
            _CoreMemorySpace(pltpu.MemorySpace.VMEM, vector_mesh)(
                (_T_NBUF, _T_CHUNK, dim), jnp.float32
            ),
            _core_typed_sem(2 * _T_NBUF, vector_mesh),
            pltpu.VMEM_SHARED((_S_NBUF, _S_CHUNK, dim), jnp.float32),
            _core_typed_sem(2 * _S_NBUF, scalar_mesh),
        ],
    )
    out = k(emb_weight[:seq_len])
    return out[None]

# --- scband reference (transcript-rebuilt; emitter-appended) ---
"""Pipeline reference for scband-random-positional-embedding-62749472195336 (READ-ONLY COPY).

The authoritative reference and input builder live on the scoring server;
editing this copy changes nothing except your own understanding.
"""

import jax, jax.numpy as jnp
import numpy as np

DIM = 2048
MAX_SEQ_LEN = 8192

def setup_inputs(seed: int = 0) -> dict:
    key = jax.random.key(seed)
    k_x, k_w = jax.random.split(key)
    x = jax.random.normal(k_x, (2, 8192, DIM), dtype=jnp.float32)
    # Replicate the module's table construction: uniform rows + zero padding row at the end
    w_rows = jax.random.uniform(k_w, (MAX_SEQ_LEN - 1, DIM), dtype=jnp.float32)
    padding_row = jnp.zeros((1, DIM), dtype=jnp.float32)
    emb_weight = jnp.concatenate([w_rows, padding_row], axis=0)
    return {"x": x, "emb_weight": emb_weight}

def reference(x, emb_weight):
    # t = arange(seq_len); gather rows from the positional table; add leading batch dim
    t = jnp.arange(x.shape[1])
    out = jnp.take(emb_weight, t, axis=0)
    return out[None, :, :]

if __name__ == "__main__":
    import jax
    _d = setup_inputs()
    print(jax.jit(kernel)(*tuple(_d.values())))

</pallas_src>

<mosaic_0001>
#map = affine_map<(d0) -> (0, 0)>
#map1 = affine_map<(d0, d1) -> (0, 0)>
module attributes {stable_mosaic.version = 14 : i64} {
  func.func @_scs_fn(%arg0: i32, %arg1: memref<8192x2048xf32, #tpu.memory_space<hbm>>, %arg2: memref<8192x2048xf32, #tpu.memory_space<hbm>>, %arg3: memref<2x16x2048xf32, #tpu.memory_space<vmem, sc_vector_subcore>>, %arg4: memref<4x!tpu.dma_semaphore, #tpu.memory_space<semaphore_mem, sc_vector_subcore>>, %arg5: memref<2x256x2048xf32, #tpu.memory_space<vmem_shared>>, %arg6: memref<4x!tpu.dma_semaphore, #tpu.memory_space<semaphore_mem>>) attributes {dimension_semantics = [#tpu.dimension_semantics<core_parallel>], iteration_bounds = array<i64: 2>, scalar_prefetch = 0 : i64, scratch_operands = 4 : i64, tpu.core_type = #tpu.core_type<sc_scalar_subcore>, window_params = [{transform_indices = #map}, {transform_indices = #map}]} {
    %mul3A = arith.constant 1536 : i32
    %mul3A_0 = arith.muli %arg0, %mul3A : i32
    %add3A = arith.constant 5120 : i32
    %add3A_1 = arith.addi %add3A, %mul3A_0 : i32
    %add3A_2 = arith.constant 0 : i32
    %add3A_3 = arith.addi %add3A_1, %add3A_2 : i32
    %dma_start3A = arith.constant 0 : i32
    %dma_start3A_4 = arith.constant 0 : i32
    %dma_start3A_5 = tpu.memref_slice %arg6[%dma_start3A_4] : memref<4x!tpu.dma_semaphore, #tpu.memory_space<semaphore_mem>> -> memref<1x!tpu.dma_semaphore, #tpu.memory_space<semaphore_mem>>
    %dma_start3A_6 = tpu.memref_squeeze %dma_start3A_5 : memref<1x!tpu.dma_semaphore, #tpu.memory_space<semaphore_mem>> -> memref<!tpu.dma_semaphore, #tpu.memory_space<semaphore_mem>>
    %dma_start3A_7 = arith.constant 0 : i32
    %dma_start3A_8 = arith.constant 0 : i32
    %dma_start3A_9 = tpu.memref_slice %arg5[%dma_start3A, %dma_start3A_7, %dma_start3A_8] : memref<2x256x2048xf32, #tpu.memory_space<vmem_shared>> -> memref<1x256x2048xf32, #tpu.memory_space<vmem_shared>>
    %dma_start3A_10 = tpu.memref_squeeze %dma_start3A_9 : memref<1x256x2048xf32, #tpu.memory_space<vmem_shared>> -> memref<256x2048xf32, #tpu.memory_space<vmem_shared>>
    %dma_start3A_11 = arith.constant 0 : i32
    %dma_start3A_12 = tpu.memref_slice %arg1[%add3A_3, %dma_start3A_11] : memref<8192x2048xf32, #tpu.memory_space<hbm>> -> memref<256x2048xf32, #tpu.memory_space<hbm>>
    tpu.enqueue_dma source(%dma_start3A_12 : memref<256x2048xf32, #tpu.memory_space<hbm>>) target(%dma_start3A_10 : memref<256x2048xf32, #tpu.memory_space<vmem_shared>>) target_semaphore(%dma_start3A_6 : memref<!tpu.dma_semaphore, #tpu.memory_space<semaphore_mem>>)
    %add3A_13 = arith.constant 256 : i32
    %add3A_14 = arith.addi %add3A_1, %add3A_13 : i32
    %dma_start3A_15 = arith.constant 1 : i32
    %dma_start3A_16 = arith.constant 1 : i32
    %dma_start3A_17 = tpu.memref_slice %arg6[%dma_start3A_16] : memref<4x!tpu.dma_semaphore, #tpu.memory_space<semaphore_mem>> -> memref<1x!tpu.dma_semaphore, #tpu.memory_space<semaphore_mem>>
    %dma_start3A_18 = tpu.memref_squeeze %dma_start3A_17 : memref<1x!tpu.dma_semaphore, #tpu.memory_space<semaphore_mem>> -> memref<!tpu.dma_semaphore, #tpu.memory_space<semaphore_mem>>
    %dma_start3A_19 = arith.constant 0 : i32
    %dma_start3A_20 = arith.constant 0 : i32
    %dma_start3A_21 = tpu.memref_slice %arg5[%dma_start3A_15, %dma_start3A_19, %dma_start3A_20] : memref<2x256x2048xf32, #tpu.memory_space<vmem_shared>> -> memref<1x256x2048xf32, #tpu.memory_space<vmem_shared>>
    %dma_start3A_22 = tpu.memref_squeeze %dma_start3A_21 : memref<1x256x2048xf32, #tpu.memory_space<vmem_shared>> -> memref<256x2048xf32, #tpu.memory_space<vmem_shared>>
    %dma_start3A_23 = arith.constant 0 : i32
    %dma_start3A_24 = tpu.memref_slice %arg1[%add3A_14, %dma_start3A_23] : memref<8192x2048xf32, #tpu.memory_space<hbm>> -> memref<256x2048xf32, #tpu.memory_space<hbm>>
    tpu.enqueue_dma source(%dma_start3A_24 : memref<256x2048xf32, #tpu.memory_space<hbm>>) target(%dma_start3A_22 : memref<256x2048xf32, #tpu.memory_space<vmem_shared>>) target_semaphore(%dma_start3A_18 : memref<!tpu.dma_semaphore, #tpu.memory_space<semaphore_mem>>)
    %add3A_25 = arith.constant 0 : i32
    %add3A_26 = arith.addi %add3A_1, %add3A_25 : i32
    %dma_wait3A = arith.constant 0 : i32
    %dma_wait3A_27 = arith.constant 0 : i32
    %dma_wait3A_28 = tpu.memref_slice %arg6[%dma_wait3A_27] : memref<4x!tpu.dma_semaphore, #tpu.memory_space<semaphore_mem>> -> memref<1x!tpu.dma_semaphore, #tpu.memory_space<semaphore_mem>>
    %dma_wait3A_29 = tpu.memref_squeeze %dma_wait3A_28 : memref<1x!tpu.dma_semaphore, #tpu.memory_space<semaphore_mem>> -> memref<!tpu.dma_semaphore, #tpu.memory_space<semaphore_mem>>
    %dma_wait3A_30 = arith.constant 0 : i32
    %dma_wait3A_31 = arith.constant 0 : i32
    %dma_wait3A_32 = tpu.memref_slice %arg5[%dma_wait3A, %dma_wait3A_30, %dma_wait3A_31] : memref<2x256x2048xf32, #tpu.memory_space<vmem_shared>> -> memref<1x256x2048xf32, #tpu.memory_space<vmem_shared>>
    %dma_wait3A_33 = tpu.memref_squeeze %dma_wait3A_32 : memref<1x256x2048xf32, #tpu.memory_space<vmem_shared>> -> memref<256x2048xf32, #tpu.memory_space<vmem_shared>>
    %dma_wait3A_34 = arith.constant 0 : i32
    %dma_wait3A_35 = tpu.memref_slice %arg1[%add3A_26, %dma_wait3A_34] : memref<8192x2048xf32, #tpu.memory_space<hbm>> -> memref<256x2048xf32, #tpu.memory_space<hbm>>
    tpu.wait_dma2 semaphore(%dma_wait3A_29 : memref<!tpu.dma_semaphore, #tpu.memory_space<semaphore_mem>>) src(%dma_wait3A_35 : memref<256x2048xf32, #tpu.memory_space<hbm>>) dst(%dma_wait3A_33 : memref<256x2048xf32, #tpu.memory_space<vmem_shared>>)
    %add3A_36 = arith.constant 0 : i32
    %add3A_37 = arith.addi %add3A_1, %add3A_36 : i32
    %dma_start3A_38 = arith.constant 0 : i32
    %dma_start3A_39 = arith.constant 2 : i32
    %dma_start3A_40 = tpu.memref_slice %arg6[%dma_start3A_39] : memref<4x!tpu.dma_semaphore, #tpu.memory_space<semaphore_mem>> -> memref<1x!tpu.dma_semaphore, #tpu.memory_space<semaphore_mem>>
    %dma_start3A_41 = tpu.memref_squeeze %dma_start3A_40 : memref<1x!tpu.dma_semaphore, #tpu.memory_space<semaphore_mem>> -> memref<!tpu.dma_semaphore, #tpu.memory_space<semaphore_mem>>
    %dma_start3A_42 = arith.constant 0 : i32
    %dma_start3A_43 = tpu.memref_slice %arg2[%add3A_37, %dma_start3A_42] : memref<8192x2048xf32, #tpu.memory_space<hbm>> -> memref<256x2048xf32, #tpu.memory_space<hbm>>
    %dma_start3A_44 = arith.constant 0 : i32
    %dma_start3A_45 = arith.constant 0 : i32
    %dma_start3A_46 = tpu.memref_slice %arg5[%dma_start3A_38, %dma_start3A_44, %dma_start3A_45] : memref<2x256x2048xf32, #tpu.memory_space<vmem_shared>> -> memref<1x256x2048xf32, #tpu.memory_space<vmem_shared>>
    %dma_start3A_47 = tpu.memref_squeeze %dma_start3A_46 : memref<1x256x2048xf32, #tpu.memory_space<vmem_shared>> -> memref<256x2048xf32, #tpu.memory_space<vmem_shared>>
    tpu.enqueue_dma source(%dma_start3A_47 : memref<256x2048xf32, #tpu.memory_space<vmem_shared>>) target(%dma_start3A_43 : memref<256x2048xf32, #tpu.memory_space<hbm>>) target_semaphore(%dma_start3A_41 : memref<!tpu.dma_semaphore, #tpu.memory_space<semaphore_mem>>)
    %add3A_48 = arith.constant 0 : i32
    %add3A_49 = arith.addi %add3A_1, %add3A_48 : i32
    %dma_wait3A_50 = arith.constant 0 : i32
    %dma_wait3A_51 = arith.constant 2 : i32
    %dma_wait3A_52 = tpu.memref_slice %arg6[%dma_wait3A_51] : memref<4x!tpu.dma_semaphore, #tpu.memory_space<semaphore_mem>> -> memref<1x!tpu.dma_semaphore, #tpu.memory_space<semaphore_mem>>
    %dma_wait3A_53 = tpu.memref_squeeze %dma_wait3A_52 : memref<1x!tpu.dma_semaphore, #tpu.memory_space<semaphore_mem>> -> memref<!tpu.dma_semaphore, #tpu.memory_space<semaphore_mem>>
    %dma_wait3A_54 = arith.constant 0 : i32
    %dma_wait3A_55 = tpu.memref_slice %arg2[%add3A_49, %dma_wait3A_54] : memref<8192x2048xf32, #tpu.memory_space<hbm>> -> memref<256x2048xf32, #tpu.memory_space<hbm>>
    %dma_wait3A_56 = arith.constant 0 : i32
    %dma_wait3A_57 = arith.constant 0 : i32
    %dma_wait3A_58 = tpu.memref_slice %arg5[%dma_wait3A_50, %dma_wait3A_56, %dma_wait3A_57] : memref<2x256x2048xf32, #tpu.memory_space<vmem_shared>> -> memref<1x256x2048xf32, #tpu.memory_space<vmem_shared>>
    %dma_wait3A_59 = tpu.memref_squeeze %dma_wait3A_58 : memref<1x256x2048xf32, #tpu.memory_space<vmem_shared>> -> memref<256x2048xf32, #tpu.memory_space<vmem_shared>>
    tpu.wait_dma2 semaphore(%dma_wait3A_53 : memref<!tpu.dma_semaphore, #tpu.memory_space<semaphore_mem>>) src(%dma_wait3A_59 : memref<256x2048xf32, #tpu.memory_space<vmem_shared>>) dst(%dma_wait3A_55 : memref<256x2048xf32, #tpu.memory_space<hbm>>)
    %add3A_60 = arith.constant 512 : i32
    %add3A_61 = arith.addi %add3A_1, %add3A_60 : i32
    %dma_start3A_62 = arith.constant 0 : i32
    %dma_start3A_63 = arith.constant 0 : i32
    %dma_start3A_64 = tpu.memref_slice %arg6[%dma_start3A_63] : memref<4x!tpu.dma_semaphore, #tpu.memory_space<semaphore_mem>> -> memref<1x!tpu.dma_semaphore, #tpu.memory_space<semaphore_mem>>
    %dma_start3A_65 = tpu.memref_squeeze %dma_start3A_64 : memref<1x!tpu.dma_semaphore, #tpu.memory_space<semaphore_mem>> -> memref<!tpu.dma_semaphore, #tpu.memory_space<semaphore_mem>>
    %dma_start3A_66 = arith.constant 0 : i32
    %dma_start3A_67 = arith.constant 0 : i32
    %dma_start3A_68 = tpu.memref_slice %arg5[%dma_start3A_62, %dma_start3A_66, %dma_start3A_67] : memref<2x256x2048xf32, #tpu.memory_space<vmem_shared>> -> memref<1x256x2048xf32, #tpu.memory_space<vmem_shared>>
    %dma_start3A_69 = tpu.memref_squeeze %dma_start3A_68 : memref<1x256x2048xf32, #tpu.memory_space<vmem_shared>> -> memref<256x2048xf32, #tpu.memory_space<vmem_shared>>
    %dma_start3A_70 = arith.constant 0 : i32
    %dma_start3A_71 = tpu.memref_slice %arg1[%add3A_61, %dma_start3A_70] : memref<8192x2048xf32, #tpu.memory_space<hbm>> -> memref<256x2048xf32, #tpu.memory_space<hbm>>
    tpu.enqueue_dma source(%dma_start3A_71 : memref<256x2048xf32, #tpu.memory_space<hbm>>) target(%dma_start3A_69 : memref<256x2048xf32, #tpu.memory_space<vmem_shared>>) target_semaphore(%dma_start3A_65 : memref<!tpu.dma_semaphore, #tpu.memory_space<semaphore_mem>>)
    %add3A_72 = arith.constant 256 : i32
    %add3A_73 = arith.addi %add3A_1, %add3A_72 : i32
    %dma_wait3A_74 = arith.constant 1 : i32
    %dma_wait3A_75 = arith.constant 1 : i32
    %dma_wait3A_76 = tpu.memref_slice %arg6[%dma_wait3A_75] : memref<4x!tpu.dma_semaphore, #tpu.memory_space<semaphore_mem>> -> memref<1x!tpu.dma_semaphore, #tpu.memory_space<semaphore_mem>>
    %dma_wait3A_77 = tpu.memref_squeeze %dma_wait3A_76 : memref<1x!tpu.dma_semaphore, #tpu.memory_space<semaphore_mem>> -> memref<!tpu.dma_semaphore, #tpu.memory_space<semaphore_mem>>
    %dma_wait3A_78 = arith.constant 0 : i32
    %dma_wait3A_79 = arith.constant 0 : i32
    %dma_wait3A_80 = tpu.memref_slice %arg5[%dma_wait3A_74, %dma_wait3A_78, %dma_wait3A_79] : memref<2x256x2048xf32, #tpu.memory_space<vmem_shared>> -> memref<1x256x2048xf32, #tpu.memory_space<vmem_shared>>
    %dma_wait3A_81 = tpu.memref_squeeze %dma_wait3A_80 : memref<1x256x2048xf32, #tpu.memory_space<vmem_shared>> -> memref<256x2048xf32, #tpu.memory_space<vmem_shared>>
    %dma_wait3A_82 = arith.constant 0 : i32
    %dma_wait3A_83 = tpu.memref_slice %arg1[%add3A_73, %dma_wait3A_82] : memref<8192x2048xf32, #tpu.memory_space<hbm>> -> memref<256x2048xf32, #tpu.memory_space<hbm>>
    tpu.wait_dma2 semaphore(%dma_wait3A_77 : memref<!tpu.dma_semaphore, #tpu.memory_space<semaphore_mem>>) src(%dma_wait3A_83 : memref<256x2048xf32, #tpu.memory_space<hbm>>) dst(%dma_wait3A_81 : memref<256x2048xf32, #tpu.memory_space<vmem_shared>>)
    %add3A_84 = arith.constant 256 : i32
    %add3A_85 = arith.addi %add3A_1, %add3A_84 : i32
    %dma_start3A_86 = arith.constant 1 : i32
    %dma_start3A_87 = arith.constant 3 : i32
    %dma_start3A_88 = tpu.memref_slice %arg6[%dma_start3A_87] : memref<4x!tpu.dma_semaphore, #tpu.memory_space<semaphore_mem>> -> memref<1x!tpu.dma_semaphore, #tpu.memory_space<semaphore_mem>>
    %dma_start3A_89 = tpu.memref_squeeze %dma_start3A_88 : memref<1x!tpu.dma_semaphore, #tpu.memory_space<semaphore_mem>> -> memref<!tpu.dma_semaphore, #tpu.memory_space<semaphore_mem>>
    %dma_start3A_90 = arith.constant 0 : i32
    %dma_start3A_91 = tpu.memref_slice %arg2[%add3A_85, %dma_start3A_90] : memref<8192x2048xf32, #tpu.memory_space<hbm>> -> memref<256x2048xf32, #tpu.memory_space<hbm>>
    %dma_start3A_92 = arith.constant 0 : i32
    %dma_start3A_93 = arith.constant 0 : i32
    %dma_start3A_94 = tpu.memref_slice %arg5[%dma_start3A_86, %dma_start3A_92, %dma_start3A_93] : memref<2x256x2048xf32, #tpu.memory_space<vmem_shared>> -> memref<1x256x2048xf32, #tpu.memory_space<vmem_shared>>
    %dma_start3A_95 = tpu.memref_squeeze %dma_start3A_94 : memref<1x256x2048xf32, #tpu.memory_space<vmem_shared>> -> memref<256x2048xf32, #tpu.memory_space<vmem_shared>>
    tpu.enqueue_dma source(%dma_start3A_95 : memref<256x2048xf32, #tpu.memory_space<vmem_shared>>) target(%dma_start3A_91 : memref<256x2048xf32, #tpu.memory_space<hbm>>) target_semaphore(%dma_start3A_89 : memref<!tpu.dma_semaphore, #tpu.memory_space<semaphore_mem>>)
    %add3A_96 = arith.constant 256 : i32
    %add3A_97 = arith.addi %add3A_1, %add3A_96 : i32
    %dma_wait3A_98 = arith.constant 1 : i32
    %dma_wait3A_99 = arith.constant 3 : i32
    %dma_wait3A_100 = tpu.memref_slice %arg6[%dma_wait3A_99] : memref<4x!tpu.dma_semaphore, #tpu.memory_space<semaphore_mem>> -> memref<1x!tpu.dma_semaphore, #tpu.memory_space<semaphore_mem>>
    %dma_wait3A_101 = tpu.memref_squeeze %dma_wait3A_100 : memref<1x!tpu.dma_semaphore, #tpu.memory_space<semaphore_mem>> -> memref<!tpu.dma_semaphore, #tpu.memory_space<semaphore_mem>>
    %dma_wait3A_102 = arith.constant 0 : i32
    %dma_wait3A_103 = tpu.memref_slice %arg2[%add3A_97, %dma_wait3A_102] : memref<8192x2048xf32, #tpu.memory_space<hbm>> -> memref<256x2048xf32, #tpu.memory_space<hbm>>
    %dma_wait3A_104 = arith.constant 0 : i32
    %dma_wait3A_105 = arith.constant 0 : i32
    %dma_wait3A_106 = tpu.memref_slice %arg5[%dma_wait3A_98, %dma_wait3A_104, %dma_wait3A_105] : memref<2x256x2048xf32, #tpu.memory_space<vmem_shared>> -> memref<1x256x2048xf32, #tpu.memory_space<vmem_shared>>
    %dma_wait3A_107 = tpu.memref_squeeze %dma_wait3A_106 : memref<1x256x2048xf32, #tpu.memory_space<vmem_shared>> -> memref<256x2048xf32, #tpu.memory_space<vmem_shared>>
    tpu.wait_dma2 semaphore(%dma_wait3A_101 : memref<!tpu.dma_semaphore, #tpu.memory_space<semaphore_mem>>) src(%dma_wait3A_107 : memref<256x2048xf32, #tpu.memory_space<vmem_shared>>) dst(%dma_wait3A_103 : memref<256x2048xf32, #tpu.memory_space<hbm>>)
    %add3A_108 = arith.constant 768 : i32
    %add3A_109 = arith.addi %add3A_1, %add3A_108 : i32
    %dma_start3A_110 = arith.constant 1 : i32
    %dma_start3A_111 = arith.constant 1 : i32
    %dma_start3A_112 = tpu.memref_slice %arg6[%dma_start3A_111] : memref<4x!tpu.dma_semaphore, #tpu.memory_space<semaphore_mem>> -> memref<1x!tpu.dma_semaphore, #tpu.memory_space<semaphore_mem>>
    %dma_start3A_113 = tpu.memref_squeeze %dma_start3A_112 : memref<1x!tpu.dma_semaphore, #tpu.memory_space<semaphore_mem>> -> memref<!tpu.dma_semaphore, #tpu.memory_space<semaphore_mem>>
    %dma_start3A_114 = arith.constant 0 : i32
    %dma_start3A_115 = arith.constant 0 : i32
    %dma_start3A_116 = tpu.memref_slice %arg5[%dma_start3A_110, %dma_start3A_114, %dma_start3A_115] : memref<2x256x2048xf32, #tpu.memory_space<vmem_shared>> -> memref<1x256x2048xf32, #tpu.memory_space<vmem_shared>>
    %dma_start3A_117 = tpu.memref_squeeze %dma_start3A_116 : memref<1x256x2048xf32, #tpu.memory_space<vmem_shared>> -> memref<256x2048xf32, #tpu.memory_space<vmem_shared>>
    %dma_start3A_118 = arith.constant 0 : i32
    %dma_start3A_119 = tpu.memref_slice %arg1[%add3A_109, %dma_start3A_118] : memref<8192x2048xf32, #tpu.memory_space<hbm>> -> memref<256x2048xf32, #tpu.memory_space<hbm>>
    tpu.enqueue_dma source(%dma_start3A_119 : memref<256x2048xf32, #tpu.memory_space<hbm>>) target(%dma_start3A_117 : memref<256x2048xf32, #tpu.memory_space<vmem_shared>>) target_semaphore(%dma_start3A_113 : memref<!tpu.dma_semaphore, #tpu.memory_space<semaphore_mem>>)
    %add3A_120 = arith.constant 512 : i32
    %add3A_121 = arith.addi %add3A_1, %add3A_120 : i32
    %dma_wait3A_122 = arith.constant 0 : i32
    %dma_wait3A_123 = arith.constant 0 : i32
    %dma_wait3A_124 = tpu.memref_slice %arg6[%dma_wait3A_123] : memref<4x!tpu.dma_semaphore, #tpu.memory_space<semaphore_mem>> -> memref<1x!tpu.dma_semaphore, #tpu.memory_space<semaphore_mem>>
    %dma_wait3A_125 = tpu.memref_squeeze %dma_wait3A_124 : memref<1x!tpu.dma_semaphore, #tpu.memory_space<semaphore_mem>> -> memref<!tpu.dma_semaphore, #tpu.memory_space<semaphore_mem>>
    %dma_wait3A_126 = arith.constant 0 : i32
    %dma_wait3A_127 = arith.constant 0 : i32
    %dma_wait3A_128 = tpu.memref_slice %arg5[%dma_wait3A_122, %dma_wait3A_126, %dma_wait3A_127] : memref<2x256x2048xf32, #tpu.memory_space<vmem_shared>> -> memref<1x256x2048xf32, #tpu.memory_space<vmem_shared>>
    %dma_wait3A_129 = tpu.memref_squeeze %dma_wait3A_128 : memref<1x256x2048xf32, #tpu.memory_space<vmem_shared>> -> memref<256x2048xf32, #tpu.memory_space<vmem_shared>>
    %dma_wait3A_130 = arith.constant 0 : i32
    %dma_wait3A_131 = tpu.memref_slice %arg1[%add3A_121, %dma_wait3A_130] : memref<8192x2048xf32, #tpu.memory_space<hbm>> -> memref<256x2048xf32, #tpu.memory_space<hbm>>
    tpu.wait_dma2 semaphore(%dma_wait3A_125 : memref<!tpu.dma_semaphore, #tpu.memory_space<semaphore_mem>>) src(%dma_wait3A_131 : memref<256x2048xf32, #tpu.memory_space<hbm>>) dst(%dma_wait3A_129 : memref<256x2048xf32, #tpu.memory_space<vmem_shared>>)
    %add3A_132 = arith.constant 512 : i32
    %add3A_133 = arith.addi %add3A_1, %add3A_132 : i32
    %dma_start3A_134 = arith.constant 0 : i32
    %dma_start3A_135 = arith.constant 2 : i32
    %dma_start3A_136 = tpu.memref_slice %arg6[%dma_start3A_135] : memref<4x!tpu.dma_semaphore, #tpu.memory_space<semaphore_mem>> -> memref<1x!tpu.dma_semaphore, #tpu.memory_space<semaphore_mem>>
    %dma_start3A_137 = tpu.memref_squeeze %dma_start3A_136 : memref<1x!tpu.dma_semaphore, #tpu.memory_space<semaphore_mem>> -> memref<!tpu.dma_semaphore, #tpu.memory_space<semaphore_mem>>
    %dma_start3A_138 = arith.constant 0 : i32
    %dma_start3A_139 = tpu.memref_slice %arg2[%add3A_133, %dma_start3A_138] : memref<8192x2048xf32, #tpu.memory_space<hbm>> -> memref<256x2048xf32, #tpu.memory_space<hbm>>
    %dma_start3A_140 = arith.constant 0 : i32
    %dma_start3A_141 = arith.constant 0 : i32
    %dma_start3A_142 = tpu.memref_slice %arg5[%dma_start3A_134, %dma_start3A_140, %dma_start3A_141] : memref<2x256x2048xf32, #tpu.memory_space<vmem_shared>> -> memref<1x256x2048xf32, #tpu.memory_space<vmem_shared>>
    %dma_start3A_143 = tpu.memref_squeeze %dma_start3A_142 : memref<1x256x2048xf32, #tpu.memory_space<vmem_shared>> -> memref<256x2048xf32, #tpu.memory_space<vmem_shared>>
    tpu.enqueue_dma source(%dma_start3A_143 : memref<256x2048xf32, #tpu.memory_space<vmem_shared>>) target(%dma_start3A_139 : memref<256x2048xf32, #tpu.memory_space<hbm>>) target_semaphore(%dma_start3A_137 : memref<!tpu.dma_semaphore, #tpu.memory_space<semaphore_mem>>)
    %add3A_144 = arith.constant 512 : i32
    %add3A_145 = arith.addi %add3A_1, %add3A_144 : i32
    %dma_wait3A_146 = arith.constant 0 : i32
    %dma_wait3A_147 = arith.constant 2 : i32
    %dma_wait3A_148 = tpu.memref_slice %arg6[%dma_wait3A_147] : memref<4x!tpu.dma_semaphore, #tpu.memory_space<semaphore_mem>> -> memref<1x!tpu.dma_semaphore, #tpu.memory_space<semaphore_mem>>
    %dma_wait3A_149 = tpu.memref_squeeze %dma_wait3A_148 : memref<1x!tpu.dma_semaphore, #tpu.memory_space<semaphore_mem>> -> memref<!tpu.dma_semaphore, #tpu.memory_space<semaphore_mem>>
    %dma_wait3A_150 = arith.constant 0 : i32
    %dma_wait3A_151 = tpu.memref_slice %arg2[%add3A_145, %dma_wait3A_150] : memref<8192x2048xf32, #tpu.memory_space<hbm>> -> memref<256x2048xf32, #tpu.memory_space<hbm>>
    %dma_wait3A_152 = arith.constant 0 : i32
    %dma_wait3A_153 = arith.constant 0 : i32
    %dma_wait3A_154 = tpu.memref_slice %arg5[%dma_wait3A_146, %dma_wait3A_152, %dma_wait3A_153] : memref<2x256x2048xf32, #tpu.memory_space<vmem_shared>> -> memref<1x256x2048xf32, #tpu.memory_space<vmem_shared>>
    %dma_wait3A_155 = tpu.memref_squeeze %dma_wait3A_154 : memref<1x256x2048xf32, #tpu.memory_space<vmem_shared>> -> memref<256x2048xf32, #tpu.memory_space<vmem_shared>>
    tpu.wait_dma2 semaphore(%dma_wait3A_149 : memref<!tpu.dma_semaphore, #tpu.memory_space<semaphore_mem>>) src(%dma_wait3A_155 : memref<256x2048xf32, #tpu.memory_space<vmem_shared>>) dst(%dma_wait3A_151 : memref<256x2048xf32, #tpu.memory_space<hbm>>)
    %add3A_156 = arith.constant 1024 : i32
    %add3A_157 = arith.addi %add3A_1, %add3A_156 : i32
    %dma_start3A_158 = arith.constant 0 : i32
    %dma_start3A_159 = arith.constant 0 : i32
    %dma_start3A_160 = tpu.memref_slice %arg6[%dma_start3A_159] : memref<4x!tpu.dma_semaphore, #tpu.memory_space<semaphore_mem>> -> memref<1x!tpu.dma_semaphore, #tpu.memory_space<semaphore_mem>>
    %dma_start3A_161 = tpu.memref_squeeze %dma_start3A_160 : memref<1x!tpu.dma_semaphore, #tpu.memory_space<semaphore_mem>> -> memref<!tpu.dma_semaphore, #tpu.memory_space<semaphore_mem>>
    %dma_start3A_162 = arith.constant 0 : i32
    %dma_start3A_163 = arith.constant 0 : i32
    %dma_start3A_164 = tpu.memref_slice %arg5[%dma_start3A_158, %dma_start3A_162, %dma_start3A_163] : memref<2x256x2048xf32, #tpu.memory_space<vmem_shared>> -> memref<1x256x2048xf32, #tpu.memory_space<vmem_shared>>
    %dma_start3A_165 = tpu.memref_squeeze %dma_start3A_164 : memref<1x256x2048xf32, #tpu.memory_space<vmem_shared>> -> memref<256x2048xf32, #tpu.memory_space<vmem_shared>>
    %dma_start3A_166 = arith.constant 0 : i32
    %dma_start3A_167 = tpu.memref_slice %arg1[%add3A_157, %dma_start3A_166] : memref<8192x2048xf32, #tpu.memory_space<hbm>> -> memref<256x2048xf32, #tpu.memory_space<hbm>>
    tpu.enqueue_dma source(%dma_start3A_167 : memref<256x2048xf32, #tpu.memory_space<hbm>>) target(%dma_start3A_165 : memref<256x2048xf32, #tpu.memory_space<vmem_shared>>) target_semaphore(%dma_start3A_161 : memref<!tpu.dma_semaphore, #tpu.memory_space<semaphore_mem>>)
    %add3A_168 = arith.constant 768 : i32
    %add3A_169 = arith.addi %add3A_1, %add3A_168 : i32
    %dma_wait3A_170 = arith.constant 1 : i32
    %dma_wait3A_171 = arith.constant 1 : i32
    %dma_wait3A_172 = tpu.memref_slice %arg6[%dma_wait3A_171] : memref<4x!tpu.dma_semaphore, #tpu.memory_space<semaphore_mem>> -> memref<1x!tpu.dma_semaphore, #tpu.memory_space<semaphore_mem>>
    %dma_wait3A_173 = tpu.memref_squeeze %dma_wait3A_172 : memref<1x!tpu.dma_semaphore, #tpu.memory_space<semaphore_mem>> -> memref<!tpu.dma_semaphore, #tpu.memory_space<semaphore_mem>>
    %dma_wait3A_174 = arith.constant 0 : i32
    %dma_wait3A_175 = arith.constant 0 : i32
    %dma_wait3A_176 = tpu.memref_slice %arg5[%dma_wait3A_170, %dma_wait3A_174, %dma_wait3A_175] : memref<2x256x2048xf32, #tpu.memory_space<vmem_shared>> -> memref<1x256x2048xf32, #tpu.memory_space<vmem_shared>>
    %dma_wait3A_177 = tpu.memref_squeeze %dma_wait3A_176 : memref<1x256x2048xf32, #tpu.memory_space<vmem_shared>> -> memref<256x2048xf32, #tpu.memory_space<vmem_shared>>
    %dma_wait3A_178 = arith.constant 0 : i32
    %dma_wait3A_179 = tpu.memref_slice %arg1[%add3A_169, %dma_wait3A_178] : memref<8192x2048xf32, #tpu.memory_space<hbm>> -> memref<256x2048xf32, #tpu.memory_space<hbm>>
    tpu.wait_dma2 semaphore(%dma_wait3A_173 : memref<!tpu.dma_semaphore, #tpu.memory_space<semaphore_mem>>) src(%dma_wait3A_179 : memref<256x2048xf32, #tpu.memory_space<hbm>>) dst(%dma_wait3A_177 : memref<256x2048xf32, #tpu.memory_space<vmem_shared>>)
    %add3A_180 = arith.constant 768 : i32
    %add3A_181 = arith.addi %add3A_1, %add3A_180 : i32
    %dma_start3A_182 = arith.constant 1 : i32
    %dma_start3A_183 = arith.constant 3 : i32
    %dma_start3A_184 = tpu.memref_slice %arg6[%dma_start3A_183] : memref<4x!tpu.dma_semaphore, #tpu.memory_space<semaphore_mem>> -> memref<1x!tpu.dma_semaphore, #tpu.memory_space<semaphore_mem>>
    %dma_start3A_185 = tpu.memref_squeeze %dma_start3A_184 : memref<1x!tpu.dma_semaphore, #tpu.memory_space<semaphore_mem>> -> memref<!tpu.dma_semaphore, #tpu.memory_space<semaphore_mem>>
    %dma_start3A_186 = arith.constant 0 : i32
    %dma_start3A_187 = tpu.memref_slice %arg2[%add3A_181, %dma_start3A_186] : memref<8192x2048xf32, #tpu.memory_space<hbm>> -> memref<256x2048xf32, #tpu.memory_space<hbm>>
    %dma_start3A_188 = arith.constant 0 : i32
    %dma_start3A_189 = arith.constant 0 : i32
    %dma_start3A_190 = tpu.memref_slice %arg5[%dma_start3A_182, %dma_start3A_188, %dma_start3A_189] : memref<2x256x2048xf32, #tpu.memory_space<vmem_shared>> -> memref<1x256x2048xf32, #tpu.memory_space<vmem_shared>>
    %dma_start3A_191 = tpu.memref_squeeze %dma_start3A_190 : memref<1x256x2048xf32, #tpu.memory_space<vmem_shared>> -> memref<256x2048xf32, #tpu.memory_space<vmem_shared>>
    tpu.enqueue_dma source(%dma_start3A_191 : memref<256x2048xf32, #tpu.memory_space<vmem_shared>>) target(%dma_start3A_187 : memref<256x2048xf32, #tpu.memory_space<hbm>>) target_semaphore(%dma_start3A_185 : memref<!tpu.dma_semaphore, #tpu.memory_space<semaphore_mem>>)
    %add3A_192 = arith.constant 768 : i32
    %add3A_193 = arith.addi %add3A_1, %add3A_192 : i32
    %dma_wait3A_194 = arith.constant 1 : i32
    %dma_wait3A_195 = arith.constant 3 : i32
    %dma_wait3A_196 = tpu.memref_slice %arg6[%dma_wait3A_195] : memref<4x!tpu.dma_semaphore, #tpu.memory_space<semaphore_mem>> -> memref<1x!tpu.dma_semaphore, #tpu.memory_space<semaphore_mem>>
    %dma_wait3A_197 = tpu.memref_squeeze %dma_wait3A_196 : memref<1x!tpu.dma_semaphore, #tpu.memory_space<semaphore_mem>> -> memref<!tpu.dma_semaphore, #tpu.memory_space<semaphore_mem>>
    %dma_wait3A_198 = arith.constant 0 : i32
    %dma_wait3A_199 = tpu.memref_slice %arg2[%add3A_193, %dma_wait3A_198] : memref<8192x2048xf32, #tpu.memory_space<hbm>> -> memref<256x2048xf32, #tpu.memory_space<hbm>>
    %dma_wait3A_200 = arith.constant 0 : i32
    %dma_wait3A_201 = arith.constant 0 : i32
    %dma_wait3A_202 = tpu.memref_slice %arg5[%dma_wait3A_194, %dma_wait3A_200, %dma_wait3A_201] : memref<2x256x2048xf32, #tpu.memory_space<vmem_shared>> -> memref<1x256x2048xf32, #tpu.memory_space<vmem_shared>>
    %dma_wait3A_203 = tpu.memref_squeeze %dma_wait3A_202 : memref<1x256x2048xf32, #tpu.memory_space<vmem_shared>> -> memref<256x2048xf32, #tpu.memory_space<vmem_shared>>
    tpu.wait_dma2 semaphore(%dma_wait3A_197 : memref<!tpu.dma_semaphore, #tpu.memory_space<semaphore_mem>>) src(%dma_wait3A_203 : memref<256x2048xf32, #tpu.memory_space<vmem_shared>>) dst(%dma_wait3A_199 : memref<256x2048xf32, #tpu.memory_space<hbm>>)
    %add3A_204 = arith.constant 1280 : i32
    %add3A_205 = arith.addi %add3A_1, %add3A_204 : i32
    %dma_start3A_206 = arith.constant 1 : i32
    %dma_start3A_207 = arith.constant 1 : i32
    %dma_start3A_208 = tpu.memref_slice %arg6[%dma_start3A_207] : memref<4x!tpu.dma_semaphore, #tpu.memory_space<semaphore_mem>> -> memref<1x!tpu.dma_semaphore, #tpu.memory_space<semaphore_mem>>
    %dma_start3A_209 = tpu.memref_squeeze %dma_start3A_208 : memref<1x!tpu.dma_semaphore, #tpu.memory_space<semaphore_mem>> -> memref<!tpu.dma_semaphore, #tpu.memory_space<semaphore_mem>>
    %dma_start3A_210 = arith.constant 0 : i32
    %dma_start3A_211 = arith.constant 0 : i32
    %dma_start3A_212 = tpu.memref_slice %arg5[%dma_start3A_206, %dma_start3A_210, %dma_start3A_211] : memref<2x256x2048xf32, #tpu.memory_space<vmem_shared>> -> memref<1x256x2048xf32, #tpu.memory_space<vmem_shared>>
    %dma_start3A_213 = tpu.memref_squeeze %dma_start3A_212 : memref<1x256x2048xf32, #tpu.memory_space<vmem_shared>> -> memref<256x2048xf32, #tpu.memory_space<vmem_shared>>
    %dma_start3A_214 = arith.constant 0 : i32
    %dma_start3A_215 = tpu.memref_slice %arg1[%add3A_205, %dma_start3A_214] : memref<8192x2048xf32, #tpu.memory_space<hbm>> -> memref<256x2048xf32, #tpu.memory_space<hbm>>
    tpu.enqueue_dma source(%dma_start3A_215 : memref<256x2048xf32, #tpu.memory_space<hbm>>) target(%dma_start3A_213 : memref<256x2048xf32, #tpu.memory_space<vmem_shared>>) target_semaphore(%dma_start3A_209 : memref<!tpu.dma_semaphore, #tpu.memory_space<semaphore_mem>>)
    %add3A_216 = arith.constant 1024 : i32
    %add3A_217 = arith.addi %add3A_1, %add3A_216 : i32
    %dma_wait3A_218 = arith.constant 0 : i32
    %dma_wait3A_219 = arith.constant 0 : i32
    %dma_wait3A_220 = tpu.memref_slice %arg6[%dma_wait3A_219] : memref<4x!tpu.dma_semaphore, #tpu.memory_space<semaphore_mem>> -> memref<1x!tpu.dma_semaphore, #tpu.memory_space<semaphore_mem>>
    %dma_wait3A_221 = tpu.memref_squeeze %dma_wait3A_220 : memref<1x!tpu.dma_semaphore, #tpu.memory_space<semaphore_mem>> -> memref<!tpu.dma_semaphore, #tpu.memory_space<semaphore_mem>>
    %dma_wait3A_222 = arith.constant 0 : i32
    %dma_wait3A_223 = arith.constant 0 : i32
    %dma_wait3A_224 = tpu.memref_slice %arg5[%dma_wait3A_218, %dma_wait3A_222, %dma_wait3A_223] : memref<2x256x2048xf32, #tpu.memory_space<vmem_shared>> -> memref<1x256x2048xf32, #tpu.memory_space<vmem_shared>>
    %dma_wait3A_225 = tpu.memref_squeeze %dma_wait3A_224 : memref<1x256x2048xf32, #tpu.memory_space<vmem_shared>> -> memref<256x2048xf32, #tpu.memory_space<vmem_shared>>
    %dma_wait3A_226 = arith.constant 0 : i32
    %dma_wait3A_227 = tpu.memref_slice %arg1[%add3A_217, %dma_wait3A_226] : memref<8192x2048xf32, #tpu.memory_space<hbm>> -> memref<256x2048xf32, #tpu.memory_space<hbm>>
    tpu.wait_dma2 semaphore(%dma_wait3A_221 : memref<!tpu.dma_semaphore, #tpu.memory_space<semaphore_mem>>) src(%dma_wait3A_227 : memref<256x2048xf32, #tpu.memory_space<hbm>>) dst(%dma_wait3A_225 : memref<256x2048xf32, #tpu.memory_space<vmem_shared>>)
    %add3A_228 = arith.constant 1024 : i32
    %add3A_229 = arith.addi %add3A_1, %add3A_228 : i32
    %dma_start3A_230 = arith.constant 0 : i32
    %dma_start3A_231 = arith.constant 2 : i32
    %dma_start3A_232 = tpu.memref_slice %arg6[%dma_start3A_231] : memref<4x!tpu.dma_semaphore, #tpu.memory_space<semaphore_mem>> -> memref<1x!tpu.dma_semaphore, #tpu.memory_space<semaphore_mem>>
    %dma_start3A_233 = tpu.memref_squeeze %dma_start3A_232 : memref<1x!tpu.dma_semaphore, #tpu.memory_space<semaphore_mem>> -> memref<!tpu.dma_semaphore, #tpu.memory_space<semaphore_mem>>
    %dma_start3A_234 = arith.constant 0 : i32
    %dma_start3A_235 = tpu.memref_slice %arg2[%add3A_229, %dma_start3A_234] : memref<8192x2048xf32, #tpu.memory_space<hbm>> -> memref<256x2048xf32, #tpu.memory_space<hbm>>
    %dma_start3A_236 = arith.constant 0 : i32
    %dma_start3A_237 = arith.constant 0 : i32
    %dma_start3A_238 = tpu.memref_slice %arg5[%dma_start3A_230, %dma_start3A_236, %dma_start3A_237] : memref<2x256x2048xf32, #tpu.memory_space<vmem_shared>> -> memref<1x256x2048xf32, #tpu.memory_space<vmem_shared>>
    %dma_start3A_239 = tpu.memref_squeeze %dma_start3A_238 : memref<1x256x2048xf32, #tpu.memory_space<vmem_shared>> -> memref<256x2048xf32, #tpu.memory_space<vmem_shared>>
    tpu.enqueue_dma source(%dma_start3A_239 : memref<256x2048xf32, #tpu.memory_space<vmem_shared>>) target(%dma_start3A_235 : memref<256x2048xf32, #tpu.memory_space<hbm>>) target_semaphore(%dma_start3A_233 : memref<!tpu.dma_semaphore, #tpu.memory_space<semaphore_mem>>)
    %add3A_240 = arith.constant 1280 : i32
    %add3A_241 = arith.addi %add3A_1, %add3A_240 : i32
    %dma_wait3A_242 = arith.constant 1 : i32
    %dma_wait3A_243 = arith.constant 1 : i32
    %dma_wait3A_244 = tpu.memref_slice %arg6[%dma_wait3A_243] : memref<4x!tpu.dma_semaphore, #tpu.memory_space<semaphore_mem>> -> memref<1x!tpu.dma_semaphore, #tpu.memory_space<semaphore_mem>>
    %dma_wait3A_245 = tpu.memref_squeeze %dma_wait3A_244 : memref<1x!tpu.dma_semaphore, #tpu.memory_space<semaphore_mem>> -> memref<!tpu.dma_semaphore, #tpu.memory_space<semaphore_mem>>
    %dma_wait3A_246 = arith.constant 0 : i32
    %dma_wait3A_247 = arith.constant 0 : i32
    %dma_wait3A_248 = tpu.memref_slice %arg5[%dma_wait3A_242, %dma_wait3A_246, %dma_wait3A_247] : memref<2x256x2048xf32, #tpu.memory_space<vmem_shared>> -> memref<1x256x2048xf32, #tpu.memory_space<vmem_shared>>
    %dma_wait3A_249 = tpu.memref_squeeze %dma_wait3A_248 : memref<1x256x2048xf32, #tpu.memory_space<vmem_shared>> -> memref<256x2048xf32, #tpu.memory_space<vmem_shared>>
    %dma_wait3A_250 = arith.constant 0 : i32
    %dma_wait3A_251 = tpu.memref_slice %arg1[%add3A_241, %dma_wait3A_250] : memref<8192x2048xf32, #tpu.memory_space<hbm>> -> memref<256x2048xf32, #tpu.memory_space<hbm>>
    tpu.wait_dma2 semaphore(%dma_wait3A_245 : memref<!tpu.dma_semaphore, #tpu.memory_space<semaphore_mem>>) src(%dma_wait3A_251 : memref<256x2048xf32, #tpu.memory_space<hbm>>) dst(%dma_wait3A_249 : memref<256x2048xf32, #tpu.memory_space<vmem_shared>>)
    %add3A_252 = arith.constant 1280 : i32
    %add3A_253 = arith.addi %add3A_1, %add3A_252 : i32
    %dma_start3A_254 = arith.constant 1 : i32
    %dma_start3A_255 = arith.constant 3 : i32
    %dma_start3A_256 = tpu.memref_slice %arg6[%dma_start3A_255] : memref<4x!tpu.dma_semaphore, #tpu.memory_space<semaphore_mem>> -> memref<1x!tpu.dma_semaphore, #tpu.memory_space<semaphore_mem>>
    %dma_start3A_257 = tpu.memref_squeeze %dma_start3A_256 : memref<1x!tpu.dma_semaphore, #tpu.memory_space<semaphore_mem>> -> memref<!tpu.dma_semaphore, #tpu.memory_space<semaphore_mem>>
    %dma_start3A_258 = arith.constant 0 : i32
    %dma_start3A_259 = tpu.memref_slice %arg2[%add3A_253, %dma_start3A_258] : memref<8192x2048xf32, #tpu.memory_space<hbm>> -> memref<256x2048xf32, #tpu.memory_space<hbm>>
    %dma_start3A_260 = arith.constant 0 : i32
    %dma_start3A_261 = arith.constant 0 : i32
    %dma_start3A_262 = tpu.memref_slice %arg5[%dma_start3A_254, %dma_start3A_260, %dma_start3A_261] : memref<2x256x2048xf32, #tpu.memory_space<vmem_shared>> -> memref<1x256x2048xf32, #tpu.memory_space<vmem_shared>>
    %dma_start3A_263 = tpu.memref_squeeze %dma_start3A_262 : memref<1x256x2048xf32, #tpu.memory_space<vmem_shared>> -> memref<256x2048xf32, #tpu.memory_space<vmem_shared>>
    tpu.enqueue_dma source(%dma_start3A_263 : memref<256x2048xf32, #tpu.memory_space<vmem_shared>>) target(%dma_start3A_259 : memref<256x2048xf32, #tpu.memory_space<hbm>>) target_semaphore(%dma_start3A_257 : memref<!tpu.dma_semaphore, #tpu.memory_space<semaphore_mem>>)
    %add3A_264 = arith.constant 1024 : i32
    %add3A_265 = arith.addi %add3A_1, %add3A_264 : i32
    %dma_wait3A_266 = arith.constant 0 : i32
    %dma_wait3A_267 = arith.constant 2 : i32
    %dma_wait3A_268 = tpu.memref_slice %arg6[%dma_wait3A_267] : memref<4x!tpu.dma_semaphore, #tpu.memory_space<semaphore_mem>> -> memref<1x!tpu.dma_semaphore, #tpu.memory_space<semaphore_mem>>
    %dma_wait3A_269 = tpu.memref_squeeze %dma_wait3A_268 : memref<1x!tpu.dma_semaphore, #tpu.memory_space<semaphore_mem>> -> memref<!tpu.dma_semaphore, #tpu.memory_space<semaphore_mem>>
    %dma_wait3A_270 = arith.constant 0 : i32
    %dma_wait3A_271 = tpu.memref_slice %arg2[%add3A_265, %dma_wait3A_270] : memref<8192x2048xf32, #tpu.memory_space<hbm>> -> memref<256x2048xf32, #tpu.memory_space<hbm>>
    %dma_wait3A_272 = arith.constant 0 : i32
    %dma_wait3A_273 = arith.constant 0 : i32
    %dma_wait3A_274 = tpu.memref_slice %arg5[%dma_wait3A_266, %dma_wait3A_272, %dma_wait3A_273] : memref<2x256x2048xf32, #tpu.memory_space<vmem_shared>> -> memref<1x256x2048xf32, #tpu.memory_space<vmem_shared>>
    %dma_wait3A_275 = tpu.memref_squeeze %dma_wait3A_274 : memref<1x256x2048xf32, #tpu.memory_space<vmem_shared>> -> memref<256x2048xf32, #tpu.memory_space<vmem_shared>>
    tpu.wait_dma2 semaphore(%dma_wait3A_269 : memref<!tpu.dma_semaphore, #tpu.memory_space<semaphore_mem>>) src(%dma_wait3A_275 : memref<256x2048xf32, #tpu.memory_space<vmem_shared>>) dst(%dma_wait3A_271 : memref<256x2048xf32, #tpu.memory_space<hbm>>)
    %add3A_276 = arith.constant 1280 : i32
    %add3A_277 = arith.addi %add3A_1, %add3A_276 : i32
    %dma_wait3A_278 = arith.constant 1 : i32
    %dma_wait3A_279 = arith.constant 3 : i32
    %dma_wait3A_280 = tpu.memref_slice %arg6[%dma_wait3A_279] : memref<4x!tpu.dma_semaphore, #tpu.memory_space<semaphore_mem>> -> memref<1x!tpu.dma_semaphore, #tpu.memory_space<semaphore_mem>>
    %dma_wait3A_281 = tpu.memref_squeeze %dma_wait3A_280 : memref<1x!tpu.dma_semaphore, #tpu.memory_space<semaphore_mem>> -> memref<!tpu.dma_semaphore, #tpu.memory_space<semaphore_mem>>
    %dma_wait3A_282 = arith.constant 0 : i32
    %dma_wait3A_283 = tpu.memref_slice %arg2[%add3A_277, %dma_wait3A_282] : memref<8192x2048xf32, #tpu.memory_space<hbm>> -> memref<256x2048xf32, #tpu.memory_space<hbm>>
    %dma_wait3A_284 = arith.constant 0 : i32
    %dma_wait3A_285 = arith.constant 0 : i32
    %dma_wait3A_286 = tpu.memref_slice %arg5[%dma_wait3A_278, %dma_wait3A_284, %dma_wait3A_285] : memref<2x256x2048xf32, #tpu.memory_space<vmem_shared>> -> memref<1x256x2048xf32, #tpu.memory_space<vmem_shared>>
    %dma_wait3A_287 = tpu.memref_squeeze %dma_wait3A_286 : memref<1x256x2048xf32, #tpu.memory_space<vmem_shared>> -> memref<256x2048xf32, #tpu.memory_space<vmem_shared>>
    tpu.wait_dma2 semaphore(%dma_wait3A_281 : memref<!tpu.dma_semaphore, #tpu.memory_space<semaphore_mem>>) src(%dma_wait3A_287 : memref<256x2048xf32, #tpu.memory_space<vmem_shared>>) dst(%dma_wait3A_283 : memref<256x2048xf32, #tpu.memory_space<hbm>>)
    return
  }
  func.func @_tec_fn(%arg0: i32, %arg1: i32, %arg2: memref<8192x2048xf32, #tpu.memory_space<hbm>>, %arg3: memref<8192x2048xf32, #tpu.memory_space<hbm>>, %arg4: memref<2x16x2048xf32, #tpu.memory_space<vmem>>, %arg5: memref<4x!tpu.dma_semaphore, #tpu.memory_space<semaphore_mem>>, %arg6: memref<2x256x2048xf32, #tpu.memory_space<vmem_shared>>, %arg7: memref<4x!tpu.dma_semaphore, #tpu.memory_space<semaphore_mem, sc_scalar_subcore>>) attributes {dimension_semantics = [#tpu.dimension_semantics<core_parallel>, #tpu.dimension_semantics<subcore_parallel>], iteration_bounds = array<i64: 2, 16>, scalar_prefetch = 0 : i64, scratch_operands = 4 : i64, tpu.core_type = #tpu.core_type<sc_vector_subcore>, window_params = [{transform_indices = #map1}, {transform_indices = #map1}]} {
    %mul3A = arith.constant 2 : i32
    %mul3A_0 = arith.muli %arg1, %mul3A : i32
    %add3A = arith.addi %mul3A_0, %arg0 : i32
    %mul3A_1 = arith.constant 160 : i32
    %mul3A_2 = arith.muli %add3A, %mul3A_1 : i32
    %add3A_3 = arith.constant 0 : i32
    %add3A_4 = arith.addi %mul3A_2, %add3A_3 : i32
    %dma_start3A = arith.constant 0 : i32
    %dma_start3A_5 = arith.constant 0 : i32
    %dma_start3A_6 = arith.constant 0 : i32
    %dma_start3A_7 = arith.constant 0 : i32
    %dma_start3A_8 = tpu.memref_slice %arg4[%dma_start3A, %dma_start3A_6, %dma_start3A_7] : memref<2x16x2048xf32, #tpu.memory_space<vmem>> -> memref<1x16x2048xf32, #tpu.memory_space<vmem>>
    %dma_start3A_9 = tpu.memref_squeeze %dma_start3A_8 : memref<1x16x2048xf32, #tpu.memory_space<vmem>> -> memref<16x2048xf32, #tpu.memory_space<vmem>>
    %dma_start3A_10 = arith.constant 0 : i32
    %dma_start3A_11 = tpu.memref_slice %arg2[%add3A_4, %dma_start3A_10] : memref<8192x2048xf32, #tpu.memory_space<hbm>> -> memref<16x2048xf32, #tpu.memory_space<hbm>>
    %dma_start3A_12 = tpu.memref_slice %arg5[%dma_start3A_5] : memref<4x!tpu.dma_semaphore, #tpu.memory_space<semaphore_mem>> -> memref<1x!tpu.dma_semaphore, #tpu.memory_space<semaphore_mem>>
    %dma_start3A_13 = tpu.memref_squeeze %dma_start3A_12 : memref<1x!tpu.dma_semaphore, #tpu.memory_space<semaphore_mem>> -> memref<!tpu.dma_semaphore, #tpu.memory_space<semaphore_mem>>
    %dma_start3A_14 = arith.constant 0 : i32
    %dma_start3A_15 = arith.constant 0 : i32
    %dma_start3A_16 = tpu.memref_slice %arg4[%dma_start3A, %dma_start3A_14, %dma_start3A_15] : memref<2x16x2048xf32, #tpu.memory_space<vmem>> -> memref<1x16x2048xf32, #tpu.memory_space<vmem>>
    %dma_start3A_17 = tpu.memref_squeeze %dma_start3A_16 : memref<1x16x2048xf32, #tpu.memory_space<vmem>> -> memref<16x2048xf32, #tpu.memory_space<vmem>>
    %dma_start3A_18 = arith.constant 0 : i32
    %dma_start3A_19 = tpu.memref_slice %arg2[%add3A_4, %dma_start3A_18] : memref<8192x2048xf32, #tpu.memory_space<hbm>> -> memref<16x2048xf32, #tpu.memory_space<hbm>>
    tpu.enqueue_dma source(%dma_start3A_19 : memref<16x2048xf32, #tpu.memory_space<hbm>>) target(%dma_start3A_17 : memref<16x2048xf32, #tpu.memory_space<vmem>>) target_semaphore(%dma_start3A_13 : memref<!tpu.dma_semaphore, #tpu.memory_space<semaphore_mem>>)
    %add3A_20 = arith.constant 16 : i32
    %add3A_21 = arith.addi %mul3A_2, %add3A_20 : i32
    %dma_start3A_22 = arith.constant 1 : i32
    %dma_start3A_23 = arith.constant 1 : i32
    %dma_start3A_24 = arith.constant 0 : i32
    %dma_start3A_25 = arith.constant 0 : i32
    %dma_start3A_26 = tpu.memref_slice %arg4[%dma_start3A_22, %dma_start3A_24, %dma_start3A_25] : memref<2x16x2048xf32, #tpu.memory_space<vmem>> -> memref<1x16x2048xf32, #tpu.memory_space<vmem>>
    %dma_start3A_27 = tpu.memref_squeeze %dma_start3A_26 : memref<1x16x2048xf32, #tpu.memory_space<vmem>> -> memref<16x2048xf32, #tpu.memory_space<vmem>>
    %dma_start3A_28 = arith.constant 0 : i32
    %dma_start3A_29 = tpu.memref_slice %arg2[%add3A_21, %dma_start3A_28] : memref<8192x2048xf32, #tpu.memory_space<hbm>> -> memref<16x2048xf32, #tpu.memory_space<hbm>>
    %dma_start3A_30 = tpu.memref_slice %arg5[%dma_start3A_23] : memref<4x!tpu.dma_semaphore, #tpu.memory_space<semaphore_mem>> -> memref<1x!tpu.dma_semaphore, #tpu.memory_space<semaphore_mem>>
    %dma_start3A_31 = tpu.memref_squeeze %dma_start3A_30 : memref<1x!tpu.dma_semaphore, #tpu.memory_space<semaphore_mem>> -> memref<!tpu.dma_semaphore, #tpu.memory_space<semaphore_mem>>
    %dma_start3A_32 = arith.constant 0 : i32
    %dma_start3A_33 = arith.constant 0 : i32
    %dma_start3A_34 = tpu.memref_slice %arg4[%dma_start3A_22, %dma_start3A_32, %dma_start3A_33] : memref<2x16x2048xf32, #tpu.memory_space<vmem>> -> memref<1x16x2048xf32, #tpu.memory_space<vmem>>
    %dma_start3A_35 = tpu.memref_squeeze %dma_start3A_34 : memref<1x16x2048xf32, #tpu.memory_space<vmem>> -> memref<16x2048xf32, #tpu.memory_space<vmem>>
    %dma_start3A_36 = arith.constant 0 : i32
    %dma_start3A_37 = tpu.memref_slice %arg2[%add3A_21, %dma_start3A_36] : memref<8192x2048xf32, #tpu.memory_space<hbm>> -> memref<16x2048xf32, #tpu.memory_space<hbm>>
    tpu.enqueue_dma source(%dma_start3A_37 : memref<16x2048xf32, #tpu.memory_space<hbm>>) target(%dma_start3A_35 : memref<16x2048xf32, #tpu.memory_space<vmem>>) target_semaphore(%dma_start3A_31 : memref<!tpu.dma_semaphore, #tpu.memory_space<semaphore_mem>>)
    %add3A_38 = arith.constant 0 : i32
    %add3A_39 = arith.addi %mul3A_2, %add3A_38 : i32
    %dma_wait3A = arith.constant 0 : i32
    %dma_wait3A_40 = arith.constant 0 : i32
    %dma_wait3A_41 = arith.constant 0 : i32
    %dma_wait3A_42 = arith.constant 0 : i32
    %dma_wait3A_43 = tpu.memref_slice %arg4[%dma_wait3A, %dma_wait3A_41, %dma_wait3A_42] : memref<2x16x2048xf32, #tpu.memory_space<vmem>> -> memref<1x16x2048xf32, #tpu.memory_space<vmem>>
    %dma_wait3A_44 = tpu.memref_squeeze %dma_wait3A_43 : memref<1x16x2048xf32, #tpu.memory_space<vmem>> -> memref<16x2048xf32, #tpu.memory_space<vmem>>
    %dma_wait3A_45 = arith.constant 0 : i32
    %dma_wait3A_46 = tpu.memref_slice %arg2[%add3A_39, %dma_wait3A_45] : memref<8192x2048xf32, #tpu.memory_space<hbm>> -> memref<16x2048xf32, #tpu.memory_space<hbm>>
    %dma_wait3A_47 = tpu.memref_slice %arg5[%dma_wait3A_40] : memref<4x!tpu.dma_semaphore, #tpu.memory_space<semaphore_mem>> -> memref<1x!tpu.dma_semaphore, #tpu.memory_space<semaphore_mem>>
    %dma_wait3A_48 = tpu.memref_squeeze %dma_wait3A_47 : memref<1x!tpu.dma_semaphore, #tpu.memory_space<semaphore_mem>> -> memref<!tpu.dma_semaphore, #tpu.memory_space<semaphore_mem>>
    %dma_wait3A_49 = arith.constant 0 : i32
    %dma_wait3A_50 = arith.constant 0 : i32
    %dma_wait3A_51 = tpu.memref_slice %arg4[%dma_wait3A, %dma_wait3A_49, %dma_wait3A_50] : memref<2x16x2048xf32, #tpu.memory_space<vmem>> -> memref<1x16x2048xf32, #tpu.memory_space<vmem>>
    %dma_wait3A_52 = tpu.memref_squeeze %dma_wait3A_51 : memref<1x16x2048xf32, #tpu.memory_space<vmem>> -> memref<16x2048xf32, #tpu.memory_space<vmem>>
    %dma_wait3A_53 = arith.constant 0 : i32
    %dma_wait3A_54 = tpu.memref_slice %arg2[%add3A_39, %dma_wait3A_53] : memref<8192x2048xf32, #tpu.memory_space<hbm>> -> memref<16x2048xf32, #tpu.memory_space<hbm>>
    tpu.wait_dma2 semaphore(%dma_wait3A_48 : memref<!tpu.dma_semaphore, #tpu.memory_space<semaphore_mem>>) src(%dma_wait3A_54 : memref<16x2048xf32, #tpu.memory_space<hbm>>) dst(%dma_wait3A_52 : memref<16x2048xf32, #tpu.memory_space<vmem>>)
    %add3A_55 = arith.constant 0 : i32
    %add3A_56 = arith.addi %mul3A_2, %add3A_55 : i32
    %dma_start3A_57 = arith.constant 0 : i32
    %dma_start3A_58 = arith.constant 2 : i32
    %dma_start3A_59 = arith.constant 0 : i32
    %dma_start3A_60 = arith.constant 0 : i32
    %dma_start3A_61 = tpu.memref_slice %arg4[%dma_start3A_57, %dma_start3A_59, %dma_start3A_60] : memref<2x16x2048xf32, #tpu.memory_space<vmem>> -> memref<1x16x2048xf32, #tpu.memory_space<vmem>>
    %dma_start3A_62 = tpu.memref_squeeze %dma_start3A_61 : memref<1x16x2048xf32, #tpu.memory_space<vmem>> -> memref<16x2048xf32, #tpu.memory_space<vmem>>
    %dma_start3A_63 = arith.constant 0 : i32
    %dma_start3A_64 = tpu.memref_slice %arg3[%add3A_56, %dma_start3A_63] : memref<8192x2048xf32, #tpu.memory_space<hbm>> -> memref<16x2048xf32, #tpu.memory_space<hbm>>
    %dma_start3A_65 = tpu.memref_slice %arg5[%dma_start3A_58] : memref<4x!tpu.dma_semaphore, #tpu.memory_space<semaphore_mem>> -> memref<1x!tpu.dma_semaphore, #tpu.memory_space<semaphore_mem>>
    %dma_start3A_66 = tpu.memref_squeeze %dma_start3A_65 : memref<1x!tpu.dma_semaphore, #tpu.memory_space<semaphore_mem>> -> memref<!tpu.dma_semaphore, #tpu.memory_space<semaphore_mem>>
    %dma_start3A_67 = arith.constant 0 : i32
    %dma_start3A_68 = tpu.memref_slice %arg3[%add3A_56, %dma_start3A_67] : memref<8192x2048xf32, #tpu.memory_space<hbm>> -> memref<16x2048xf32, #tpu.memory_space<hbm>>
    %dma_start3A_69 = arith.constant 0 : i32
    %dma_start3A_70 = arith.constant 0 : i32
    %dma_start3A_71 = tpu.memref_slice %arg4[%dma_start3A_57, %dma_start3A_69, %dma_start3A_70] : memref<2x16x2048xf32, #tpu.memory_space<vmem>> -> memref<1x16x2048xf32, #tpu.memory_space<vmem>>
    %dma_start3A_72 = tpu.memref_squeeze %dma_start3A_71 : memref<1x16x2048xf32, #tpu.memory_space<vmem>> -> memref<16x2048xf32, #tpu.memory_space<vmem>>
    tpu.enqueue_dma source(%dma_start3A_72 : memref<16x2048xf32, #tpu.memory_space<vmem>>) target(%dma_start3A_68 : memref<16x2048xf32, #tpu.memory_space<hbm>>) target_semaphore(%dma_start3A_66 : memref<!tpu.dma_semaphore, #tpu.memory_space<semaphore_mem>>)
    %add3A_73 = arith.constant 0 : i32
    %add3A_74 = arith.addi %mul3A_2, %add3A_73 : i32
    %dma_wait3A_75 = arith.constant 0 : i32
    %dma_wait3A_76 = arith.constant 2 : i32
    %dma_wait3A_77 = arith.constant 0 : i32
    %dma_wait3A_78 = arith.constant 0 : i32
    %dma_wait3A_79 = tpu.memref_slice %arg4[%dma_wait3A_75, %dma_wait3A_77, %dma_wait3A_78] : memref<2x16x2048xf32, #tpu.memory_space<vmem>> -> memref<1x16x2048xf32, #tpu.memory_space<vmem>>
    %dma_wait3A_80 = tpu.memref_squeeze %dma_wait3A_79 : memref<1x16x2048xf32, #tpu.memory_space<vmem>> -> memref<16x2048xf32, #tpu.memory_space<vmem>>
    %dma_wait3A_81 = arith.constant 0 : i32
    %dma_wait3A_82 = tpu.memref_slice %arg3[%add3A_74, %dma_wait3A_81] : memref<8192x2048xf32, #tpu.memory_space<hbm>> -> memref<16x2048xf32, #tpu.memory_space<hbm>>
    %dma_wait3A_83 = tpu.memref_slice %arg5[%dma_wait3A_76] : memref<4x!tpu.dma_semaphore, #tpu.memory_space<semaphore_mem>> -> memref<1x!tpu.dma_semaphore, #tpu.memory_space<semaphore_mem>>
    %dma_wait3A_84 = tpu.memref_squeeze %dma_wait3A_83 : memref<1x!tpu.dma_semaphore, #tpu.memory_space<semaphore_mem>> -> memref<!tpu.dma_semaphore, #tpu.memory_space<semaphore_mem>>
    %dma_wait3A_85 = arith.constant 0 : i32
    %dma_wait3A_86 = tpu.memref_slice %arg3[%add3A_74, %dma_wait3A_85] : memref<8192x2048xf32, #tpu.memory_space<hbm>> -> memref<16x2048xf32, #tpu.memory_space<hbm>>
    %dma_wait3A_87 = arith.constant 0 : i32
    %dma_wait3A_88 = arith.constant 0 : i32
    %dma_wait3A_89 = tpu.memref_slice %arg4[%dma_wait3A_75, %dma_wait3A_87, %dma_wait3A_88] : memref<2x16x2048xf32, #tpu.memory_space<vmem>> -> memref<1x16x2048xf32, #tpu.memory_space<vmem>>
    %dma_wait3A_90 = tpu.memref_squeeze %dma_wait3A_89 : memref<1x16x2048xf32, #tpu.memory_space<vmem>> -> memref<16x2048xf32, #tpu.memory_space<vmem>>
    tpu.wait_dma2 semaphore(%dma_wait3A_84 : memref<!tpu.dma_semaphore, #tpu.memory_space<semaphore_mem>>) src(%dma_wait3A_90 : memref<16x2048xf32, #tpu.memory_space<vmem>>) dst(%dma_wait3A_86 : memref<16x2048xf32, #tpu.memory_space<hbm>>)
    %add3A_91 = arith.constant 32 : i32
    %add3A_92 = arith.addi %mul3A_2, %add3A_91 : i32
    %dma_start3A_93 = arith.constant 0 : i32
    %dma_start3A_94 = arith.constant 0 : i32
    %dma_start3A_95 = arith.constant 0 : i32
    %dma_start3A_96 = arith.constant 0 : i32
    %dma_start3A_97 = tpu.memref_slice %arg4[%dma_start3A_93, %dma_start3A_95, %dma_start3A_96] : memref<2x16x2048xf32, #tpu.memory_space<vmem>> -> memref<1x16x2048xf32, #tpu.memory_space<vmem>>
    %dma_start3A_98 = tpu.memref_squeeze %dma_start3A_97 : memref<1x16x2048xf32, #tpu.memory_space<vmem>> -> memref<16x2048xf32, #tpu.memory_space<vmem>>
    %dma_start3A_99 = arith.constant 0 : i32
    %dma_start3A_100 = tpu.memref_slice %arg2[%add3A_92, %dma_start3A_99] : memref<8192x2048xf32, #tpu.memory_space<hbm>> -> memref<16x2048xf32, #tpu.memory_space<hbm>>
    %dma_start3A_101 = tpu.memref_slice %arg5[%dma_start3A_94] : memref<4x!tpu.dma_semaphore, #tpu.memory_space<semaphore_mem>> -> memref<1x!tpu.dma_semaphore, #tpu.memory_space<semaphore_mem>>
    %dma_start3A_102 = tpu.memref_squeeze %dma_start3A_101 : memref<1x!tpu.dma_semaphore, #tpu.memory_space<semaphore_mem>> -> memref<!tpu.dma_semaphore, #tpu.memory_space<semaphore_mem>>
    %dma_start3A_103 = arith.constant 0 : i32
    %dma_start3A_104 = arith.constant 0 : i32
    %dma_start3A_105 = tpu.memref_slice %arg4[%dma_start3A_93, %dma_start3A_103, %dma_start3A_104] : memref<2x16x2048xf32, #tpu.memory_space<vmem>> -> memref<1x16x2048xf32, #tpu.memory_space<vmem>>
    %dma_start3A_106 = tpu.memref_squeeze %dma_start3A_105 : memref<1x16x2048xf32, #tpu.memory_space<vmem>> -> memref<16x2048xf32, #tpu.memory_space<vmem>>
    %dma_start3A_107 = arith.constant 0 : i32
    %dma_start3A_108 = tpu.memref_slice %arg2[%add3A_92, %dma_start3A_107] : memref<8192x2048xf32, #tpu.memory_space<hbm>> -> memref<16x2048xf32, #tpu.memory_space<hbm>>
    tpu.enqueue_dma source(%dma_start3A_108 : memref<16x2048xf32, #tpu.memory_space<hbm>>) target(%dma_start3A_106 : memref<16x2048xf32, #tpu.memory_space<vmem>>) target_semaphore(%dma_start3A_102 : memref<!tpu.dma_semaphore, #tpu.memory_space<semaphore_mem>>)
    %add3A_109 = arith.constant 16 : i32
    %add3A_110 = arith.addi %mul3A_2, %add3A_109 : i32
    %dma_wait3A_111 = arith.constant 1 : i32
    %dma_wait3A_112 = arith.constant 1 : i32
    %dma_wait3A_113 = arith.constant 0 : i32
    %dma_wait3A_114 = arith.constant 0 : i32
    %dma_wait3A_115 = tpu.memref_slice %arg4[%dma_wait3A_111, %dma_wait3A_113, %dma_wait3A_114] : memref<2x16x2048xf32, #tpu.memory_space<vmem>> -> memref<1x16x2048xf32, #tpu.memory_space<vmem>>
    %dma_wait3A_116 = tpu.memref_squeeze %dma_wait3A_115 : memref<1x16x2048xf32, #tpu.memory_space<vmem>> -> memref<16x2048xf32, #tpu.memory_space<vmem>>
    %dma_wait3A_117 = arith.constant 0 : i32
    %dma_wait3A_118 = tpu.memref_slice %arg2[%add3A_110, %dma_wait3A_117] : memref<8192x2048xf32, #tpu.memory_space<hbm>> -> memref<16x2048xf32, #tpu.memory_space<hbm>>
    %dma_wait3A_119 = tpu.memref_slice %arg5[%dma_wait3A_112] : memref<4x!tpu.dma_semaphore, #tpu.memory_space<semaphore_mem>> -> memref<1x!tpu.dma_semaphore, #tpu.memory_space<semaphore_mem>>
    %dma_wait3A_120 = tpu.memref_squeeze %dma_wait3A_119 : memref<1x!tpu.dma_semaphore, #tpu.memory_space<semaphore_mem>> -> memref<!tpu.dma_semaphore, #tpu.memory_space<semaphore_mem>>
    %dma_wait3A_121 = arith.constant 0 : i32
    %dma_wait3A_122 = arith.constant 0 : i32
    %dma_wait3A_123 = tpu.memref_slice %arg4[%dma_wait3A_111, %dma_wait3A_121, %dma_wait3A_122] : memref<2x16x2048xf32, #tpu.memory_space<vmem>> -> memref<1x16x2048xf32, #tpu.memory_space<vmem>>
    %dma_wait3A_124 = tpu.memref_squeeze %dma_wait3A_123 : memref<1x16x2048xf32, #tpu.memory_space<vmem>> -> memref<16x2048xf32, #tpu.memory_space<vmem>>
    %dma_wait3A_125 = arith.constant 0 : i32
    %dma_wait3A_126 = tpu.memref_slice %arg2[%add3A_110, %dma_wait3A_125] : memref<8192x2048xf32, #tpu.memory_space<hbm>> -> memref<16x2048xf32, #tpu.memory_space<hbm>>
    tpu.wait_dma2 semaphore(%dma_wait3A_120 : memref<!tpu.dma_semaphore, #tpu.memory_space<semaphore_mem>>) src(%dma_wait3A_126 : memref<16x2048xf32, #tpu.memory_space<hbm>>) dst(%dma_wait3A_124 : memref<16x2048xf32, #tpu.memory_space<vmem>>)
    %add3A_127 = arith.constant 16 : i32
    %add3A_128 = arith.addi %mul3A_2, %add3A_127 : i32
    %dma_start3A_129 = arith.constant 1 : i32
    %dma_start3A_130 = arith.constant 3 : i32
    %dma_start3A_131 = arith.constant 0 : i32
    %dma_start3A_132 = arith.constant 0 : i32
    %dma_start3A_133 = tpu.memref_slice %arg4[%dma_start3A_129, %dma_start3A_131, %dma_start3A_132] : memref<2x16x2048xf32, #tpu.memory_space<vmem>> -> memref<1x16x2048xf32, #tpu.memory_space<vmem>>
    %dma_start3A_134 = tpu.memref_squeeze %dma_start3A_133 : memref<1x16x2048xf32, #tpu.memory_space<vmem>> -> memref<16x2048xf32, #tpu.memory_space<vmem>>
    %dma_start3A_135 = arith.constant 0 : i32
    %dma_start3A_136 = tpu.memref_slice %arg3[%add3A_128, %dma_start3A_135] : memref<8192x2048xf32, #tpu.memory_space<hbm>> -> memref<16x2048xf32, #tpu.memory_space<hbm>>
    %dma_start3A_137 = tpu.memref_slice %arg5[%dma_start3A_130] : memref<4x!tpu.dma_semaphore, #tpu.memory_space<semaphore_mem>> -> memref<1x!tpu.dma_semaphore, #tpu.memory_space<semaphore_mem>>
    %dma_start3A_138 = tpu.memref_squeeze %dma_start3A_137 : memref<1x!tpu.dma_semaphore, #tpu.memory_space<semaphore_mem>> -> memref<!tpu.dma_semaphore, #tpu.memory_space<semaphore_mem>>
    %dma_start3A_139 = arith.constant 0 : i32
    %dma_start3A_140 = tpu.memref_slice %arg3[%add3A_128, %dma_start3A_139] : memref<8192x2048xf32, #tpu.memory_space<hbm>> -> memref<16x2048xf32, #tpu.memory_space<hbm>>
    %dma_start3A_141 = arith.constant 0 : i32
    %dma_start3A_142 = arith.constant 0 : i32
    %dma_start3A_143 = tpu.memref_slice %arg4[%dma_start3A_129, %dma_start3A_141, %dma_start3A_142] : memref<2x16x2048xf32, #tpu.memory_space<vmem>> -> memref<1x16x2048xf32, #tpu.memory_space<vmem>>
    %dma_start3A_144 = tpu.memref_squeeze %dma_start3A_143 : memref<1x16x2048xf32, #tpu.memory_space<vmem>> -> memref<16x2048xf32, #tpu.memory_space<vmem>>
    tpu.enqueue_dma source(%dma_start3A_144 : memref<16x2048xf32, #tpu.memory_space<vmem>>) target(%dma_start3A_140 : memref<16x2048xf32, #tpu.memory_space<hbm>>) target_semaphore(%dma_start3A_138 : memref<!tpu.dma_semaphore, #tpu.memory_space<semaphore_mem>>)
    %add3A_145 = arith.constant 16 : i32
    %add3A_146 = arith.addi %mul3A_2, %add3A_145 : i32
    %dma_wait3A_147 = arith.constant 1 : i32
    %dma_wait3A_148 = arith.constant 3 : i32
    %dma_wait3A_149 = arith.constant 0 : i32
    %dma_wait3A_150 = arith.constant 0 : i32
    %dma_wait3A_151 = tpu.memref_slice %arg4[%dma_wait3A_147, %dma_wait3A_149, %dma_wait3A_150] : memref<2x16x2048xf32, #tpu.memory_space<vmem>> -> memref<1x16x2048xf32, #tpu.memory_space<vmem>>
    %dma_wait3A_152 = tpu.memref_squeeze %dma_wait3A_151 : memref<1x16x2048xf32, #tpu.memory_space<vmem>> -> memref<16x2048xf32, #tpu.memory_space<vmem>>
    %dma_wait3A_153 = arith.constant 0 : i32
    %dma_wait3A_154 = tpu.memref_slice %arg3[%add3A_146, %dma_wait3A_153] : memref<8192x2048xf32, #tpu.memory_space<hbm>> -> memref<16x2048xf32, #tpu.memory_space<hbm>>
    %dma_wait3A_155 = tpu.memref_slice %arg5[%dma_wait3A_148] : memref<4x!tpu.dma_semaphore, #tpu.memory_space<semaphore_mem>> -> memref<1x!tpu.dma_semaphore, #tpu.memory_space<semaphore_mem>>
    %dma_wait3A_156 = tpu.memref_squeeze %dma_wait3A_155 : memref<1x!tpu.dma_semaphore, #tpu.memory_space<semaphore_mem>> -> memref<!tpu.dma_semaphore, #tpu.memory_space<semaphore_mem>>
    %dma_wait3A_157 = arith.constant 0 : i32
    %dma_wait3A_158 = tpu.memref_slice %arg3[%add3A_146, %dma_wait3A_157] : memref<8192x2048xf32, #tpu.memory_space<hbm>> -> memref<16x2048xf32, #tpu.memory_space<hbm>>
    %dma_wait3A_159 = arith.constant 0 : i32
    %dma_wait3A_160 = arith.constant 0 : i32
    %dma_wait3A_161 = tpu.memref_slice %arg4[%dma_wait3A_147, %dma_wait3A_159, %dma_wait3A_160] : memref<2x16x2048xf32, #tpu.memory_space<vmem>> -> memref<1x16x2048xf32, #tpu.memory_space<vmem>>
    %dma_wait3A_162 = tpu.memref_squeeze %dma_wait3A_161 : memref<1x16x2048xf32, #tpu.memory_space<vmem>> -> memref<16x2048xf32, #tpu.memory_space<vmem>>
    tpu.wait_dma2 semaphore(%dma_wait3A_156 : memref<!tpu.dma_semaphore, #tpu.memory_space<semaphore_mem>>) src(%dma_wait3A_162 : memref<16x2048xf32, #tpu.memory_space<vmem>>) dst(%dma_wait3A_158 : memref<16x2048xf32, #tpu.memory_space<hbm>>)
    %add3A_163 = arith.constant 48 : i32
    %add3A_164 = arith.addi %mul3A_2, %add3A_163 : i32
    %dma_start3A_165 = arith.constant 1 : i32
    %dma_start3A_166 = arith.constant 1 : i32
    %dma_start3A_167 = arith.constant 0 : i32
    %dma_start3A_168 = arith.constant 0 : i32
    %dma_start3A_169 = tpu.memref_slice %arg4[%dma_start3A_165, %dma_start3A_167, %dma_start3A_168] : memref<2x16x2048xf32, #tpu.memory_space<vmem>> -> memref<1x16x2048xf32, #tpu.memory_space<vmem>>
    %dma_start3A_170 = tpu.memref_squeeze %dma_start3A_169 : memref<1x16x2048xf32, #tpu.memory_space<vmem>> -> memref<16x2048xf32, #tpu.memory_space<vmem>>
    %dma_start3A_171 = arith.constant 0 : i32
    %dma_start3A_172 = tpu.memref_slice %arg2[%add3A_164, %dma_start3A_171] : memref<8192x2048xf32, #tpu.memory_space<hbm>> -> memref<16x2048xf32, #tpu.memory_space<hbm>>
    %dma_start3A_173 = tpu.memref_slice %arg5[%dma_start3A_166] : memref<4x!tpu.dma_semaphore, #tpu.memory_space<semaphore_mem>> -> memref<1x!tpu.dma_semaphore, #tpu.memory_space<semaphore_mem>>
    %dma_start3A_174 = tpu.memref_squeeze %dma_start3A_173 : memref<1x!tpu.dma_semaphore, #tpu.memory_space<semaphore_mem>> -> memref<!tpu.dma_semaphore, #tpu.memory_space<semaphore_mem>>
    %dma_start3A_175 = arith.constant 0 : i32
    %dma_start3A_176 = arith.constant 0 : i32
    %dma_start3A_177 = tpu.memref_slice %arg4[%dma_start3A_165, %dma_start3A_175, %dma_start3A_176] : memref<2x16x2048xf32, #tpu.memory_space<vmem>> -> memref<1x16x2048xf32, #tpu.memory_space<vmem>>
    %dma_start3A_178 = tpu.memref_squeeze %dma_start3A_177 : memref<1x16x2048xf32, #tpu.memory_space<vmem>> -> memref<16x2048xf32, #tpu.memory_space<vmem>>
    %dma_start3A_179 = arith.constant 0 : i32
    %dma_start3A_180 = tpu.memref_slice %arg2[%add3A_164, %dma_start3A_179] : memref<8192x2048xf32, #tpu.memory_space<hbm>> -> memref<16x2048xf32, #tpu.memory_space<hbm>>
    tpu.enqueue_dma source(%dma_start3A_180 : memref<16x2048xf32, #tpu.memory_space<hbm>>) target(%dma_start3A_178 : memref<16x2048xf32, #tpu.memory_space<vmem>>) target_semaphore(%dma_start3A_174 : memref<!tpu.dma_semaphore, #tpu.memory_space<semaphore_mem>>)
    %add3A_181 = arith.constant 32 : i32
    %add3A_182 = arith.addi %mul3A_2, %add3A_181 : i32
    %dma_wait3A_183 = arith.constant 0 : i32
    %dma_wait3A_184 = arith.constant 0 : i32
    %dma_wait3A_185 = arith.constant 0 : i32
    %dma_wait3A_186 = arith.constant 0 : i32
    %dma_wait3A_187 = tpu.memref_slice %arg4[%dma_wait3A_183, %dma_wait3A_185, %dma_wait3A_186] : memref<2x16x2048xf32, #tpu.memory_space<vmem>> -> memref<1x16x2048xf32, #tpu.memory_space<vmem>>
    %dma_wait3A_188 = tpu.memref_squeeze %dma_wait3A_187 : memref<1x16x2048xf32, #tpu.memory_space<vmem>> -> memref<16x2048xf32, #tpu.memory_space<vmem>>
    %dma_wait3A_189 = arith.constant 0 : i32
    %dma_wait3A_190 = tpu.memref_slice %arg2[%add3A_182, %dma_wait3A_189] : memref<8192x2048xf32, #tpu.memory_space<hbm>> -> memref<16x2048xf32, #tpu.memory_space<hbm>>
    %dma_wait3A_191 = tpu.memref_slice %arg5[%dma_wait3A_184] : memref<4x!tpu.dma_semaphore, #tpu.memory_space<semaphore_mem>> -> memref<1x!tpu.dma_semaphore, #tpu.memory_space<semaphore_mem>>
    %dma_wait3A_192 = tpu.memref_squeeze %dma_wait3A_191 : memref<1x!tpu.dma_semaphore, #tpu.memory_space<semaphore_mem>> -> memref<!tpu.dma_semaphore, #tpu.memory_space<semaphore_mem>>
    %dma_wait3A_193 = arith.constant 0 : i32
    %dma_wait3A_194 = arith.constant 0 : i32
    %dma_wait3A_195 = tpu.memref_slice %arg4[%dma_wait3A_183, %dma_wait3A_193, %dma_wait3A_194] : memref<2x16x2048xf32, #tpu.memory_space<vmem>> -> memref<1x16x2048xf32, #tpu.memory_space<vmem>>
    %dma_wait3A_196 = tpu.memref_squeeze %dma_wait3A_195 : memref<1x16x2048xf32, #tpu.memory_space<vmem>> -> memref<16x2048xf32, #tpu.memory_space<vmem>>
    %dma_wait3A_197 = arith.constant 0 : i32
    %dma_wait3A_198 = tpu.memref_slice %arg2[%add3A_182, %dma_wait3A_197] : memref<8192x2048xf32, #tpu.memory_space<hbm>> -> memref<16x2048xf32, #tpu.memory_space<hbm>>
    tpu.wait_dma2 semaphore(%dma_wait3A_192 : memref<!tpu.dma_semaphore, #tpu.memory_space<semaphore_mem>>) src(%dma_wait3A_198 : memref<16x2048xf32, #tpu.memory_space<hbm>>) dst(%dma_wait3A_196 : memref<16x2048xf32, #tpu.memory_space<vmem>>)
    %add3A_199 = arith.constant 32 : i32
    %add3A_200 = arith.addi %mul3A_2, %add3A_199 : i32
    %dma_start3A_201 = arith.constant 0 : i32
    %dma_start3A_202 = arith.constant 2 : i32
    %dma_start3A_203 = arith.constant 0 : i32
    %dma_start3A_204 = arith.constant 0 : i32
    %dma_start3A_205 = tpu.memref_slice %arg4[%dma_start3A_201, %dma_start3A_203, %dma_start3A_204] : memref<2x16x2048xf32, #tpu.memory_space<vmem>> -> memref<1x16x2048xf32, #tpu.memory_space<vmem>>
    %dma_start3A_206 = tpu.memref_squeeze %dma_start3A_205 : memref<1x16x2048xf32, #tpu.memory_space<vmem>> -> memref<16x2048xf32, #tpu.memory_space<vmem>>
    %dma_start3A_207 = arith.constant 0 : i32
    %dma_start3A_208 = tpu.memref_slice %arg3[%add3A_200, %dma_start3A_207] : memref<8192x2048xf32, #tpu.memory_space<hbm>> -> memref<16x2048xf32, #tpu.memory_space<hbm>>
    %dma_start3A_209 = tpu.memref_slice %arg5[%dma_start3A_202] : memref<4x!tpu.dma_semaphore, #tpu.memory_space<semaphore_mem>> -> memref<1x!tpu.dma_semaphore, #tpu.memory_space<semaphore_mem>>
    %dma_start3A_210 = tpu.memref_squeeze %dma_start3A_209 : memref<1x!tpu.dma_semaphore, #tpu.memory_space<semaphore_mem>> -> memref<!tpu.dma_semaphore, #tpu.memory_space<semaphore_mem>>
    %dma_start3A_211 = arith.constant 0 : i32
    %dma_start3A_212 = tpu.memref_slice %arg3[%add3A_200, %dma_start3A_211] : memref<8192x2048xf32, #tpu.memory_space<hbm>> -> memref<16x2048xf32, #tpu.memory_space<hbm>>
    %dma_start3A_213 = arith.constant 0 : i32
    %dma_start3A_214 = arith.constant 0 : i32
    %dma_start3A_215 = tpu.memref_slice %arg4[%dma_start3A_201, %dma_start3A_213, %dma_start3A_214] : memref<2x16x2048xf32, #tpu.memory_space<vmem>> -> memref<1x16x2048xf32, #tpu.memory_space<vmem>>
    %dma_start3A_216 = tpu.memref_squeeze %dma_start3A_215 : memref<1x16x2048xf32, #tpu.memory_space<vmem>> -> memref<16x2048xf32, #tpu.memory_space<vmem>>
    tpu.enqueue_dma source(%dma_start3A_216 : memref<16x2048xf32, #tpu.memory_space<vmem>>) target(%dma_start3A_212 : memref<16x2048xf32, #tpu.memory_space<hbm>>) target_semaphore(%dma_start3A_210 : memref<!tpu.dma_semaphore, #tpu.memory_space<semaphore_mem>>)
    %add3A_217 = arith.constant 32 : i32
    %add3A_218 = arith.addi %mul3A_2, %add3A_217 : i32
    %dma_wait3A_219 = arith.constant 0 : i32
    %dma_wait3A_220 = arith.constant 2 : i32
    %dma_wait3A_221 = arith.constant 0 : i32
    %dma_wait3A_222 = arith.constant 0 : i32
    %dma_wait3A_223 = tpu.memref_slice %arg4[%dma_wait3A_219, %dma_wait3A_221, %dma_wait3A_222] : memref<2x16x2048xf32, #tpu.memory_space<vmem>> -> memref<1x16x2048xf32, #tpu.memory_space<vmem>>
    %dma_wait3A_224 = tpu.memref_squeeze %dma_wait3A_223 : memref<1x16x2048xf32, #tpu.memory_space<vmem>> -> memref<16x2048xf32, #tpu.memory_space<vmem>>
    %dma_wait3A_225 = arith.constant 0 : i32
    %dma_wait3A_226 = tpu.memref_slice %arg3[%add3A_218, %dma_wait3A_225] : memref<8192x2048xf32, #tpu.memory_space<hbm>> -> memref<16x2048xf32, #tpu.memory_space<hbm>>
    %dma_wait3A_227 = tpu.memref_slice %arg5[%dma_wait3A_220] : memref<4x!tpu.dma_semaphore, #tpu.memory_space<semaphore_mem>> -> memref<1x!tpu.dma_semaphore, #tpu.memory_space<semaphore_mem>>
    %dma_wait3A_228 = tpu.memref_squeeze %dma_wait3A_227 : memref<1x!tpu.dma_semaphore, #tpu.memory_space<semaphore_mem>> -> memref<!tpu.dma_semaphore, #tpu.memory_space<semaphore_mem>>
    %dma_wait3A_229 = arith.constant 0 : i32
    %dma_wait3A_230 = tpu.memref_slice %arg3[%add3A_218, %dma_wait3A_229] : memref<8192x2048xf32, #tpu.memory_space<hbm>> -> memref<16x2048xf32, #tpu.memory_space<hbm>>
    %dma_wait3A_231 = arith.constant 0 : i32
    %dma_wait3A_232 = arith.constant 0 : i32
    %dma_wait3A_233 = tpu.memref_slice %arg4[%dma_wait3A_219, %dma_wait3A_231, %dma_wait3A_232] : memref<2x16x2048xf32, #tpu.memory_space<vmem>> -> memref<1x16x2048xf32, #tpu.memory_space<vmem>>
    %dma_wait3A_234 = tpu.memref_squeeze %dma_wait3A_233 : memref<1x16x2048xf32, #tpu.memory_space<vmem>> -> memref<16x2048xf32, #tpu.memory_space<vmem>>
    tpu.wait_dma2 semaphore(%dma_wait3A_228 : memref<!tpu.dma_semaphore, #tpu.memory_space<semaphore_mem>>) src(%dma_wait3A_234 : memref<16x2048xf32, #tpu.memory_space<vmem>>) dst(%dma_wait3A_230 : memref<16x2048xf32, #tpu.memory_space<hbm>>)
    %add3A_235 = arith.constant 64 : i32
    %add3A_236 = arith.addi %mul3A_2, %add3A_235 : i32
    %dma_start3A_237 = arith.constant 0 : i32
    %dma_start3A_238 = arith.constant 0 : i32
    %dma_start3A_239 = arith.constant 0 : i32
    %dma_start3A_240 = arith.constant 0 : i32
    %dma_start3A_241 = tpu.memref_slice %arg4[%dma_start3A_237, %dma_start3A_239, %dma_start3A_240] : memref<2x16x2048xf32, #tpu.memory_space<vmem>> -> memref<1x16x2048xf32, #tpu.memory_space<vmem>>
    %dma_start3A_242 = tpu.memref_squeeze %dma_start3A_241 : memref<1x16x2048xf32, #tpu.memory_space<vmem>> -> memref<16x2048xf32, #tpu.memory_space<vmem>>
    %dma_start3A_243 = arith.constant 0 : i32
    %dma_start3A_244 = tpu.memref_slice %arg2[%add3A_236, %dma_start3A_243] : memref<8192x2048xf32, #tpu.memory_space<hbm>> -> memref<16x2048xf32, #tpu.memory_space<hbm>>
    %dma_start3A_245 = tpu.memref_slice %arg5[%dma_start3A_238] : memref<4x!tpu.dma_semaphore, #tpu.memory_space<semaphore_mem>> -> memref<1x!tpu.dma_semaphore, #tpu.memory_space<semaphore_mem>>
    %dma_start3A_246 = tpu.memref_squeeze %dma_start3A_245 : memref<1x!tpu.dma_semaphore, #tpu.memory_space<semaphore_mem>> -> memref<!tpu.dma_semaphore, #tpu.memory_space<semaphore_mem>>
    %dma_start3A_247 = arith.constant 0 : i32
    %dma_start3A_248 = arith.constant 0 : i32
    %dma_start3A_249 = tpu.memref_slice %arg4[%dma_start3A_237, %dma_start3A_247, %dma_start3A_248] : memref<2x16x2048xf32, #tpu.memory_space<vmem>> -> memref<1x16x2048xf32, #tpu.memory_space<vmem>>
    %dma_start3A_250 = tpu.memref_squeeze %dma_start3A_249 : memref<1x16x2048xf32, #tpu.memory_space<vmem>> -> memref<16x2048xf32, #tpu.memory_space<vmem>>
    %dma_start3A_251 = arith.constant 0 : i32
    %dma_start3A_252 = tpu.memref_slice %arg2[%add3A_236, %dma_start3A_251] : memref<8192x2048xf32, #tpu.memory_space<hbm>> -> memref<16x2048xf32, #tpu.memory_space<hbm>>
    tpu.enqueue_dma source(%dma_start3A_252 : memref<16x2048xf32, #tpu.memory_space<hbm>>) target(%dma_start3A_250 : memref<16x2048xf32, #tpu.memory_space<vmem>>) target_semaphore(%dma_start3A_246 : memref<!tpu.dma_semaphore, #tpu.memory_space<semaphore_mem>>)
    %add3A_253 = arith.constant 48 : i32
    %add3A_254 = arith.addi %mul3A_2, %add3A_253 : i32
    %dma_wait3A_255 = arith.constant 1 : i32
    %dma_wait3A_256 = arith.constant 1 : i32
    %dma_wait3A_257 = arith.constant 0 : i32
    %dma_wait3A_258 = arith.constant 0 : i32
    %dma_wait3A_259 = tpu.memref_slice %arg4[%dma_wait3A_255, %dma_wait3A_257, %dma_wait3A_258] : memref<2x16x2048xf32, #tpu.memory_space<vmem>> -> memref<1x16x2048xf32, #tpu.memory_space<vmem>>
    %dma_wait3A_260 = tpu.memref_squeeze %dma_wait3A_259 : memref<1x16x2048xf32, #tpu.memory_space<vmem>> -> memref<16x2048xf32, #tpu.memory_space<vmem>>
    %dma_wait3A_261 = arith.constant 0 : i32
    %dma_wait3A_262 = tpu.memref_slice %arg2[%add3A_254, %dma_wait3A_261] : memref<8192x2048xf32, #tpu.memory_space<hbm>> -> memref<16x2048xf32, #tpu.memory_space<hbm>>
    %dma_wait3A_263 = tpu.memref_slice %arg5[%dma_wait3A_256] : memref<4x!tpu.dma_semaphore, #tpu.memory_space<semaphore_mem>> -> memref<1x!tpu.dma_semaphore, #tpu.memory_space<semaphore_mem>>
    %dma_wait3A_264 = tpu.memref_squeeze %dma_wait3A_263 : memref<1x!tpu.dma_semaphore, #tpu.memory_space<semaphore_mem>> -> memref<!tpu.dma_semaphore, #tpu.memory_space<semaphore_mem>>
    %dma_wait3A_265 = arith.constant 0 : i32
    %dma_wait3A_266 = arith.constant 0 : i32
    %dma_wait3A_267 = tpu.memref_slice %arg4[%dma_wait3A_255, %dma_wait3A_265, %dma_wait3A_266] : memref<2x16x2048xf32, #tpu.memory_space<vmem>> -> memref<1x16x2048xf32, #tpu.memory_space<vmem>>
    %dma_wait3A_268 = tpu.memref_squeeze %dma_wait3A_267 : memref<1x16x2048xf32, #tpu.memory_space<vmem>> -> memref<16x2048xf32, #tpu.memory_space<vmem>>
    %dma_wait3A_269 = arith.constant 0 : i32
    %dma_wait3A_270 = tpu.memref_slice %arg2[%add3A_254, %dma_wait3A_269] : memref<8192x2048xf32, #tpu.memory_space<hbm>> -> memref<16x2048xf32, #tpu.memory_space<hbm>>
    tpu.wait_dma2 semaphore(%dma_wait3A_264 : memref<!tpu.dma_semaphore, #tpu.memory_space<semaphore_mem>>) src(%dma_wait3A_270 : memref<16x2048xf32, #tpu.memory_space<hbm>>) dst(%dma_wait3A_268 : memref<16x2048xf32, #tpu.memory_space<vmem>>)
    %add3A_271 = arith.constant 48 : i32
    %add3A_272 = arith.addi %mul3A_2, %add3A_271 : i32
    %dma_start3A_273 = arith.constant 1 : i32
    %dma_start3A_274 = arith.constant 3 : i32
    %dma_start3A_275 = arith.constant 0 : i32
    %dma_start3A_276 = arith.constant 0 : i32
    %dma_start3A_277 = tpu.memref_slice %arg4[%dma_start3A_273, %dma_start3A_275, %dma_start3A_276] : memref<2x16x2048xf32, #tpu.memory_space<vmem>> -> memref<1x16x2048xf32, #tpu.memory_space<vmem>>
    %dma_start3A_278 = tpu.memref_squeeze %dma_start3A_277 : memref<1x16x2048xf32, #tpu.memory_space<vmem>> -> memref<16x2048xf32, #tpu.memory_space<vmem>>
    %dma_start3A_279 = arith.constant 0 : i32
    %dma_start3A_280 = tpu.memref_slice %arg3[%add3A_272, %dma_start3A_279] : memref<8192x2048xf32, #tpu.memory_space<hbm>> -> memref<16x2048xf32, #tpu.memory_space<hbm>>
    %dma_start3A_281 = tpu.memref_slice %arg5[%dma_start3A_274] : memref<4x!tpu.dma_semaphore, #tpu.memory_space<semaphore_mem>> -> memref<1x!tpu.dma_semaphore, #tpu.memory_space<semaphore_mem>>
    %dma_start3A_282 = tpu.memref_squeeze %dma_start3A_281 : memref<1x!tpu.dma_semaphore, #tpu.memory_space<semaphore_mem>> -> memref<!tpu.dma_semaphore, #tpu.memory_space<semaphore_mem>>
    %dma_start3A_283 = arith.constant 0 : i32
    %dma_start3A_284 = tpu.memref_slice %arg3[%add3A_272, %dma_start3A_283] : memref<8192x2048xf32, #tpu.memory_space<hbm>> -> memref<16x2048xf32, #tpu.memory_space<hbm>>
    %dma_start3A_285 = arith.constant 0 : i32
    %dma_start3A_286 = arith.constant 0 : i32
    %dma_start3A_287 = tpu.memref_slice %arg4[%dma_start3A_273, %dma_start3A_285, %dma_start3A_286] : memref<2x16x2048xf32, #tpu.memory_space<vmem>> -> memref<1x16x2048xf32, #tpu.memory_space<vmem>>
    %dma_start3A_288 = tpu.memref_squeeze %dma_start3A_287 : memref<1x16x2048xf32, #tpu.memory_space<vmem>> -> memref<16x2048xf32, #tpu.memory_space<vmem>>
    tpu.enqueue_dma source(%dma_start3A_288 : memref<16x2048xf32, #tpu.memory_space<vmem>>) target(%dma_start3A_284 : memref<16x2048xf32, #tpu.memory_space<hbm>>) target_semaphore(%dma_start3A_282 : memref<!tpu.dma_semaphore, #tpu.memory_space<semaphore_mem>>)
    %add3A_289 = arith.constant 48 : i32
    %add3A_290 = arith.addi %mul3A_2, %add3A_289 : i32
    %dma_wait3A_291 = arith.constant 1 : i32
    %dma_wait3A_292 = arith.constant 3 : i32
    %dma_wait3A_293 = arith.constant 0 : i32
    %dma_wait3A_294 = arith.constant 0 : i32
    %dma_wait3A_295 = tpu.memref_slice %arg4[%dma_wait3A_291, %dma_wait3A_293, %dma_wait3A_294] : memref<2x16x2048xf32, #tpu.memory_space<vmem>> -> memref<1x16x2048xf32, #tpu.memory_space<vmem>>
    %dma_wait3A_296 = tpu.memref_squeeze %dma_wait3A_295 : memref<1x16x2048xf32, #tpu.memory_space<vmem>> -> memref<16x2048xf32, #tpu.memory_space<vmem>>
    %dma_wait3A_297 = arith.constant 0 : i32
    %dma_wait3A_298 = tpu.memref_slice %arg3[%add3A_290, %dma_wait3A_297] : memref<8192x2048xf32, #tpu.memory_space<hbm>> -> memref<16x2048xf32, #tpu.memory_space<hbm>>
    %dma_wait3A_299 = tpu.memref_slice %arg5[%dma_wait3A_292] : memref<4x!tpu.dma_semaphore, #tpu.memory_space<semaphore_mem>> -> memref<1x!tpu.dma_semaphore, #tpu.memory_space<semaphore_mem>>
    %dma_wait3A_300 = tpu.memref_squeeze %dma_wait3A_299 : memref<1x!tpu.dma_semaphore, #tpu.memory_space<semaphore_mem>> -> memref<!tpu.dma_semaphore, #tpu.memory_space<semaphore_mem>>
    %dma_wait3A_301 = arith.constant 0 : i32
    %dma_wait3A_302 = tpu.memref_slice %arg3[%add3A_290, %dma_wait3A_301] : memref<8192x2048xf32, #tpu.memory_space<hbm>> -> memref<16x2048xf32, #tpu.memory_space<hbm>>
    %dma_wait3A_303 = arith.constant 0 : i32
    %dma_wait3A_304 = arith.constant 0 : i32
    %dma_wait3A_305 = tpu.memref_slice %arg4[%dma_wait3A_291, %dma_wait3A_303, %dma_wait3A_304] : memref<2x16x2048xf32, #tpu.memory_space<vmem>> -> memref<1x16x2048xf32, #tpu.memory_space<vmem>>
    %dma_wait3A_306 = tpu.memref_squeeze %dma_wait3A_305 : memref<1x16x2048xf32, #tpu.memory_space<vmem>> -> memref<16x2048xf32, #tpu.memory_space<vmem>>
    tpu.wait_dma2 semaphore(%dma_wait3A_300 : memref<!tpu.dma_semaphore, #tpu.memory_space<semaphore_mem>>) src(%dma_wait3A_306 : memref<16x2048xf32, #tpu.memory_space<vmem>>) dst(%dma_wait3A_302 : memref<16x2048xf32, #tpu.memory_space<hbm>>)
    %add3A_307 = arith.constant 80 : i32
    %add3A_308 = arith.addi %mul3A_2, %add3A_307 : i32
    %dma_start3A_309 = arith.constant 1 : i32
    %dma_start3A_310 = arith.constant 1 : i32
    %dma_start3A_311 = arith.constant 0 : i32
    %dma_start3A_312 = arith.constant 0 : i32
    %dma_start3A_313 = tpu.memref_slice %arg4[%dma_start3A_309, %dma_start3A_311, %dma_start3A_312] : memref<2x16x2048xf32, #tpu.memory_space<vmem>> -> memref<1x16x2048xf32, #tpu.memory_space<vmem>>
    %dma_start3A_314 = tpu.memref_squeeze %dma_start3A_313 : memref<1x16x2048xf32, #tpu.memory_space<vmem>> -> memref<16x2048xf32, #tpu.memory_space<vmem>>
    %dma_start3A_315 = arith.constant 0 : i32
    %dma_start3A_316 = tpu.memref_slice %arg2[%add3A_308, %dma_start3A_315] : memref<8192x2048xf32, #tpu.memory_space<hbm>> -> memref<16x2048xf32, #tpu.memory_space<hbm>>
    %dma_start3A_317 = tpu.memref_slice %arg5[%dma_start3A_310] : memref<4x!tpu.dma_semaphore, #tpu.memory_space<semaphore_mem>> -> memref<1x!tpu.dma_semaphore, #tpu.memory_space<semaphore_mem>>
    %dma_start3A_318 = tpu.memref_squeeze %dma_start3A_317 : memref<1x!tpu.dma_semaphore, #tpu.memory_space<semaphore_mem>> -> memref<!tpu.dma_semaphore, #tpu.memory_space<semaphore_mem>>
    %dma_start3A_319 = arith.constant 0 : i32
    %dma_start3A_320 = arith.constant 0 : i32
    %dma_start3A_321 = tpu.memref_slice %arg4[%dma_start3A_309, %dma_start3A_319, %dma_start3A_320] : memref<2x16x2048xf32, #tpu.memory_space<vmem>> -> memref<1x16x2048xf32, #tpu.memory_space<vmem>>
    %dma_start3A_322 = tpu.memref_squeeze %dma_start3A_321 : memref<1x16x2048xf32, #tpu.memory_space<vmem>> -> memref<16x2048xf32, #tpu.memory_space<vmem>>
    %dma_start3A_323 = arith.constant 0 : i32
    %dma_start3A_324 = tpu.memref_slice %arg2[%add3A_308, %dma_start3A_323] : memref<8192x2048xf32, #tpu.memory_space<hbm>> -> memref<16x2048xf32, #tpu.memory_space<hbm>>
    tpu.enqueue_dma source(%dma_start3A_324 : memref<16x2048xf32, #tpu.memory_space<hbm>>) target(%dma_start3A_322 : memref<16x2048xf32, #tpu.memory_space<vmem>>) target_semaphore(%dma_start3A_318 : memref<!tpu.dma_semaphore, #tpu.memory_space<semaphore_mem>>)
    %add3A_325 = arith.constant 64 : i32
    %add3A_326 = arith.addi %mul3A_2, %add3A_325 : i32
    %dma_wait3A_327 = arith.constant 0 : i32
    %dma_wait3A_328 = arith.constant 0 : i32
    %dma_wait3A_329 = arith.constant 0 : i32
    %dma_wait3A_330 = arith.constant 0 : i32
    %dma_wait3A_331 = tpu.memref_slice %arg4[%dma_wait3A_327, %dma_wait3A_329, %dma_wait3A_330] : memref<2x16x2048xf32, #tpu.memory_space<vmem>> -> memref<1x16x2048xf32, #tpu.memory_space<vmem>>
    %dma_wait3A_332 = tpu.memref_squeeze %dma_wait3A_331 : memref<1x16x2048xf32, #tpu.memory_space<vmem>> -> memref<16x2048xf32, #tpu.memory_space<vmem>>
    %dma_wait3A_333 = arith.constant 0 : i32
    %dma_wait3A_334 = tpu.memref_slice %arg2[%add3A_326, %dma_wait3A_333] : memref<8192x2048xf32, #tpu.memory_space<hbm>> -> memref<16x2048xf32, #tpu.memory_space<hbm>>
    %dma_wait3A_335 = tpu.memref_slice %arg5[%dma_wait3A_328] : memref<4x!tpu.dma_semaphore, #tpu.memory_space<semaphore_mem>> -> memref<1x!tpu.dma_semaphore, #tpu.memory_space<semaphore_mem>>
    %dma_wait3A_336 = tpu.memref_squeeze %dma_wait3A_335 : memref<1x!tpu.dma_semaphore, #tpu.memory_space<semaphore_mem>> -> memref<!tpu.dma_semaphore, #tpu.memory_space<semaphore_mem>>
    %dma_wait3A_337 = arith.constant 0 : i32
    %dma_wait3A_338 = arith.constant 0 : i32
    %dma_wait3A_339 = tpu.memref_slice %arg4[%dma_wait3A_327, %dma_wait3A_337, %dma_wait3A_338] : memref<2x16x2048xf32, #tpu.memory_space<vmem>> -> memref<1x16x2048xf32, #tpu.memory_space<vmem>>
    %dma_wait3A_340 = tpu.memref_squeeze %dma_wait3A_339 : memref<1x16x2048xf32, #tpu.memory_space<vmem>> -> memref<16x2048xf32, #tpu.memory_space<vmem>>
    %dma_wait3A_341 = arith.constant 0 : i32
    %dma_wait3A_342 = tpu.memref_slice %arg2[%add3A_326, %dma_wait3A_341] : memref<8192x2048xf32, #tpu.memory_space<hbm>> -> memref<16x2048xf32, #tpu.memory_space<hbm>>
    tpu.wait_dma2 semaphore(%dma_wait3A_336 : memref<!tpu.dma_semaphore, #tpu.memory_space<semaphore_mem>>) src(%dma_wait3A_342 : memref<16x2048xf32, #tpu.memory_space<hbm>>) dst(%dma_wait3A_340 : memref<16x2048xf32, #tpu.memory_space<vmem>>)
    %add3A_343 = arith.constant 64 : i32
    %add3A_344 = arith.addi %mul3A_2, %add3A_343 : i32
    %dma_start3A_345 = arith.constant 0 : i32
    %dma_start3A_346 = arith.constant 2 : i32
    %dma_start3A_347 = arith.constant 0 : i32
    %dma_start3A_348 = arith.constant 0 : i32
    %dma_start3A_349 = tpu.memref_slice %arg4[%dma_start3A_345, %dma_start3A_347, %dma_start3A_348] : memref<2x16x2048xf32, #tpu.memory_space<vmem>> -> memref<1x16x2048xf32, #tpu.memory_space<vmem>>
    %dma_start3A_350 = tpu.memref_squeeze %dma_start3A_349 : memref<1x16x2048xf32, #tpu.memory_space<vmem>> -> memref<16x2048xf32, #tpu.memory_space<vmem>>
    %dma_start3A_351 = arith.constant 0 : i32
    %dma_start3A_352 = tpu.memref_slice %arg3[%add3A_344, %dma_start3A_351] : memref<8192x2048xf32, #tpu.memory_space<hbm>> -> memref<16x2048xf32, #tpu.memory_space<hbm>>
    %dma_start3A_353 = tpu.memref_slice %arg5[%dma_start3A_346] : memref<4x!tpu.dma_semaphore, #tpu.memory_space<semaphore_mem>> -> memref<1x!tpu.dma_semaphore, #tpu.memory_space<semaphore_mem>>
    %dma_start3A_354 = tpu.memref_squeeze %dma_start3A_353 : memref<1x!tpu.dma_semaphore, #tpu.memory_space<semaphore_mem>> -> memref<!tpu.dma_semaphore, #tpu.memory_space<semaphore_mem>>
    %dma_start3A_355 = arith.constant 0 : i32
    %dma_start3A_356 = tpu.memref_slice %arg3[%add3A_344, %dma_start3A_355] : memref<8192x2048xf32, #tpu.memory_space<hbm>> -> memref<16x2048xf32, #tpu.memory_space<hbm>>
    %dma_start3A_357 = arith.constant 0 : i32
    %dma_start3A_358 = arith.constant 0 : i32
    %dma_start3A_359 = tpu.memref_slice %arg4[%dma_start3A_345, %dma_start3A_357, %dma_start3A_358] : memref<2x16x2048xf32, #tpu.memory_space<vmem>> -> memref<1x16x2048xf32, #tpu.memory_space<vmem>>
    %dma_start3A_360 = tpu.memref_squeeze %dma_start3A_359 : memref<1x16x2048xf32, #tpu.memory_space<vmem>> -> memref<16x2048xf32, #tpu.memory_space<vmem>>
    tpu.enqueue_dma source(%dma_start3A_360 : memref<16x2048xf32, #tpu.memory_space<vmem>>) target(%dma_start3A_356 : memref<16x2048xf32, #tpu.memory_space<hbm>>) target_semaphore(%dma_start3A_354 : memref<!tpu.dma_semaphore, #tpu.memory_space<semaphore_mem>>)
    %add3A_361 = arith.constant 64 : i32
    %add3A_362 = arith.addi %mul3A_2, %add3A_361 : i32
    %dma_wait3A_363 = arith.constant 0 : i32
    %dma_wait3A_364 = arith.constant 2 : i32
    %dma_wait3A_365 = arith.constant 0 : i32
    %dma_wait3A_366 = arith.constant 0 : i32
    %dma_wait3A_367 = tpu.memref_slice %arg4[%dma_wait3A_363, %dma_wait3A_365, %dma_wait3A_366] : memref<2x16x2048xf32, #tpu.memory_space<vmem>> -> memref<1x16x2048xf32, #tpu.memory_space<vmem>>
    %dma_wait3A_368 = tpu.memref_squeeze %dma_wait3A_367 : memref<1x16x2048xf32, #tpu.memory_space<vmem>> -> memref<16x2048xf32, #tpu.memory_space<vmem>>
    %dma_wait3A_369 = arith.constant 0 : i32
    %dma_wait3A_370 = tpu.memref_slice %arg3[%add3A_362, %dma_wait3A_369] : memref<8192x2048xf32, #tpu.memory_space<hbm>> -> memref<16x2048xf32, #tpu.memory_space<hbm>>
    %dma_wait3A_371 = tpu.memref_slice %arg5[%dma_wait3A_364] : memref<4x!tpu.dma_semaphore, #tpu.memory_space<semaphore_mem>> -> memref<1x!tpu.dma_semaphore, #tpu.memory_space<semaphore_mem>>
    %dma_wait3A_372 = tpu.memref_squeeze %dma_wait3A_371 : memref<1x!tpu.dma_semaphore, #tpu.memory_space<semaphore_mem>> -> memref<!tpu.dma_semaphore, #tpu.memory_space<semaphore_mem>>
    %dma_wait3A_373 = arith.constant 0 : i32
    %dma_wait3A_374 = tpu.memref_slice %arg3[%add3A_362, %dma_wait3A_373] : memref<8192x2048xf32, #tpu.memory_space<hbm>> -> memref<16x2048xf32, #tpu.memory_space<hbm>>
    %dma_wait3A_375 = arith.constant 0 : i32
    %dma_wait3A_376 = arith.constant 0 : i32
    %dma_wait3A_377 = tpu.memref_slice %arg4[%dma_wait3A_363, %dma_wait3A_375, %dma_wait3A_376] : memref<2x16x2048xf32, #tpu.memory_space<vmem>> -> memref<1x16x2048xf32, #tpu.memory_space<vmem>>
    %dma_wait3A_378 = tpu.memref_squeeze %dma_wait3A_377 : memref<1x16x2048xf32, #tpu.memory_space<vmem>> -> memref<16x2048xf32, #tpu.memory_space<vmem>>
    tpu.wait_dma2 semaphore(%dma_wait3A_372 : memref<!tpu.dma_semaphore, #tpu.memory_space<semaphore_mem>>) src(%dma_wait3A_378 : memref<16x2048xf32, #tpu.memory_space<vmem>>) dst(%dma_wait3A_374 : memref<16x2048xf32, #tpu.memory_space<hbm>>)
    %add3A_379 = arith.constant 96 : i32
    %add3A_380 = arith.addi %mul3A_2, %add3A_379 : i32
    %dma_start3A_381 = arith.constant 0 : i32
    %dma_start3A_382 = arith.constant 0 : i32
    %dma_start3A_383 = arith.constant 0 : i32
    %dma_start3A_384 = arith.constant 0 : i32
    %dma_start3A_385 = tpu.memref_slice %arg4[%dma_start3A_381, %dma_start3A_383, %dma_start3A_384] : memref<2x16x2048xf32, #tpu.memory_space<vmem>> -> memref<1x16x2048xf32, #tpu.memory_space<vmem>>
    %dma_start3A_386 = tpu.memref_squeeze %dma_start3A_385 : memref<1x16x2048xf32, #tpu.memory_space<vmem>> -> memref<16x2048xf32, #tpu.memory_space<vmem>>
    %dma_start3A_387 = arith.constant 0 : i32
    %dma_start3A_388 = tpu.memref_slice %arg2[%add3A_380, %dma_start3A_387] : memref<8192x2048xf32, #tpu.memory_space<hbm>> -> memref<16x2048xf32, #tpu.memory_space<hbm>>
    %dma_start3A_389 = tpu.memref_slice %arg5[%dma_start3A_382] : memref<4x!tpu.dma_semaphore, #tpu.memory_space<semaphore_mem>> -> memref<1x!tpu.dma_semaphore, #tpu.memory_space<semaphore_mem>>
    %dma_start3A_390 = tpu.memref_squeeze %dma_start3A_389 : memref<1x!tpu.dma_semaphore, #tpu.memory_space<semaphore_mem>> -> memref<!tpu.dma_semaphore, #tpu.memory_space<semaphore_mem>>
    %dma_start3A_391 = arith.constant 0 : i32
    %dma_start3A_392 = arith.constant 0 : i32
    %dma_start3A_393 = tpu.memref_slice %arg4[%dma_start3A_381, %dma_start3A_391, %dma_start3A_392] : memref<2x16x2048xf32, #tpu.memory_space<vmem>> -> memref<1x16x2048xf32, #tpu.memory_space<vmem>>
    %dma_start3A_394 = tpu.memref_squeeze %dma_start3A_393 : memref<1x16x2048xf32, #tpu.memory_space<vmem>> -> memref<16x2048xf32, #tpu.memory_space<vmem>>
    %dma_start3A_395 = arith.constant 0 : i32
    %dma_start3A_396 = tpu.memref_slice %arg2[%add3A_380, %dma_start3A_395] : memref<8192x2048xf32, #tpu.memory_space<hbm>> -> memref<16x2048xf32, #tpu.memory_space<hbm>>
    tpu.enqueue_dma source(%dma_start3A_396 : memref<16x2048xf32, #tpu.memory_space<hbm>>) target(%dma_start3A_394 : memref<16x2048xf32, #tpu.memory_space<vmem>>) target_semaphore(%dma_start3A_390 : memref<!tpu.dma_semaphore, #tpu.memory_space<semaphore_mem>>)
    %add3A_397 = arith.constant 80 : i32
    %add3A_398 = arith.addi %mul3A_2, %add3A_397 : i32
    %dma_wait3A_399 = arith.constant 1 : i32
    %dma_wait3A_400 = arith.constant 1 : i32
    %dma_wait3A_401 = arith.constant 0 : i32
    %dma_wait3A_402 = arith.constant 0 : i32
    %dma_wait3A_403 = tpu.memref_slice %arg4[%dma_wait3A_399, %dma_wait3A_401, %dma_wait3A_402] : memref<2x16x2048xf32, #tpu.memory_space<vmem>> -> memref<1x16x2048xf32, #tpu.memory_space<vmem>>
    %dma_wait3A_404 = tpu.memref_squeeze %dma_wait3A_403 : memref<1x16x2048xf32, #tpu.memory_space<vmem>> -> memref<16x2048xf32, #tpu.memory_space<vmem>>
    %dma_wait3A_405 = arith.constant 0 : i32
    %dma_wait3A_406 = tpu.memref_slice %arg2[%add3A_398, %dma_wait3A_405] : memref<8192x2048xf32, #tpu.memory_space<hbm>> -> memref<16x2048xf32, #tpu.memory_space<hbm>>
    %dma_wait3A_407 = tpu.memref_slice %arg5[%dma_wait3A_400] : memref<4x!tpu.dma_semaphore, #tpu.memory_space<semaphore_mem>> -> memref<1x!tpu.dma_semaphore, #tpu.memory_space<semaphore_mem>>
    %dma_wait3A_408 = tpu.memref_squeeze %dma_wait3A_407 : memref<1x!tpu.dma_semaphore, #tpu.memory_space<semaphore_mem>> -> memref<!tpu.dma_semaphore, #tpu.memory_space<semaphore_mem>>
    %dma_wait3A_409 = arith.constant 0 : i32
    %dma_wait3A_410 = arith.constant 0 : i32
    %dma_wait3A_411 = tpu.memref_slice %arg4[%dma_wait3A_399, %dma_wait3A_409, %dma_wait3A_410] : memref<2x16x2048xf32, #tpu.memory_space<vmem>> -> memref<1x16x2048xf32, #tpu.memory_space<vmem>>
    %dma_wait3A_412 = tpu.memref_squeeze %dma_wait3A_411 : memref<1x16x2048xf32, #tpu.memory_space<vmem>> -> memref<16x2048xf32, #tpu.memory_space<vmem>>
    %dma_wait3A_413 = arith.constant 0 : i32
    %dma_wait3A_414 = tpu.memref_slice %arg2[%add3A_398, %dma_wait3A_413] : memref<8192x2048xf32, #tpu.memory_space<hbm>> -> memref<16x2048xf32, #tpu.memory_space<hbm>>
    tpu.wait_dma2 semaphore(%dma_wait3A_408 : memref<!tpu.dma_semaphore, #tpu.memory_space<semaphore_mem>>) src(%dma_wait3A_414 : memref<16x2048xf32, #tpu.memory_space<hbm>>) dst(%dma_wait3A_412 : memref<16x2048xf32, #tpu.memory_space<vmem>>)
    %add3A_415 = arith.constant 80 : i32
    %add3A_416 = arith.addi %mul3A_2, %add3A_415 : i32
    %dma_start3A_417 = arith.constant 1 : i32
    %dma_start3A_418 = arith.constant 3 : i32
    %dma_start3A_419 = arith.constant 0 : i32
    %dma_start3A_420 = arith.constant 0 : i32
    %dma_start3A_421 = tpu.memref_slice %arg4[%dma_start3A_417, %dma_start3A_419, %dma_start3A_420] : memref<2x16x2048xf32, #tpu.memory_space<vmem>> -> memref<1x16x2048xf32, #tpu.memory_space<vmem>>
    %dma_start3A_422 = tpu.memref_squeeze %dma_start3A_421 : memref<1x16x2048xf32, #tpu.memory_space<vmem>> -> memref<16x2048xf32, #tpu.memory_space<vmem>>
    %dma_start3A_423 = arith.constant 0 : i32
    %dma_start3A_424 = tpu.memref_slice %arg3[%add3A_416, %dma_start3A_423] : memref<8192x2048xf32, #tpu.memory_space<hbm>> -> memref<16x2048xf32, #tpu.memory_space<hbm>>
    %dma_start3A_425 = tpu.memref_slice %arg5[%dma_start3A_418] : memref<4x!tpu.dma_semaphore, #tpu.memory_space<semaphore_mem>> -> memref<1x!tpu.dma_semaphore, #tpu.memory_space<semaphore_mem>>
    %dma_start3A_426 = tpu.memref_squeeze %dma_start3A_425 : memref<1x!tpu.dma_semaphore, #tpu.memory_space<semaphore_mem>> -> memref<!tpu.dma_semaphore, #tpu.memory_space<semaphore_mem>>
    %dma_start3A_427 = arith.constant 0 : i32
    %dma_start3A_428 = tpu.memref_slice %arg3[%add3A_416, %dma_start3A_427] : memref<8192x2048xf32, #tpu.memory_space<hbm>> -> memref<16x2048xf32, #tpu.memory_space<hbm>>
    %dma_start3A_429 = arith.constant 0 : i32
    %dma_start3A_430 = arith.constant 0 : i32
    %dma_start3A_431 = tpu.memref_slice %arg4[%dma_start3A_417, %dma_start3A_429, %dma_start3A_430] : memref<2x16x2048xf32, #tpu.memory_space<vmem>> -> memref<1x16x2048xf32, #tpu.memory_space<vmem>>
    %dma_start3A_432 = tpu.memref_squeeze %dma_start3A_431 : memref<1x16x2048xf32, #tpu.memory_space<vmem>> -> memref<16x2048xf32, #tpu.memory_space<vmem>>
    tpu.enqueue_dma source(%dma_start3A_432 : memref<16x2048xf32, #tpu.memory_space<vmem>>) target(%dma_start3A_428 : memref<16x2048xf32, #tpu.memory_space<hbm>>) target_semaphore(%dma_start3A_426 : memref<!tpu.dma_semaphore, #tpu.memory_space<semaphore_mem>>)
    %add3A_433 = arith.constant 80 : i32
    %add3A_434 = arith.addi %mul3A_2, %add3A_433 : i32
    %dma_wait3A_435 = arith.constant 1 : i32
    %dma_wait3A_436 = arith.constant 3 : i32
    %dma_wait3A_437 = arith.constant 0 : i32
    %dma_wait3A_438 = arith.constant 0 : i32
    %dma_wait3A_439 = tpu.memref_slice %arg4[%dma_wait3A_435, %dma_wait3A_437, %dma_wait3A_438] : memref<2x16x2048xf32, #tpu.memory_space<vmem>> -> memref<1x16x2048xf32, #tpu.memory_space<vmem>>
    %dma_wait3A_440 = tpu.memref_squeeze %dma_wait3A_439 : memref<1x16x2048xf32, #tpu.memory_space<vmem>> -> memref<16x2048xf32, #tpu.memory_space<vmem>>
    %dma_wait3A_441 = arith.constant 0 : i32
    %dma_wait3A_442 = tpu.memref_slice %arg3[%add3A_434, %dma_wait3A_441] : memref<8192x2048xf32, #tpu.memory_space<hbm>> -> memref<16x2048xf32, #tpu.memory_space<hbm>>
    %dma_wait3A_443 = tpu.memref_slice %arg5[%dma_wait3A_436] : memref<4x!tpu.dma_semaphore, #tpu.memory_space<semaphore_mem>> -> memref<1x!tpu.dma_semaphore, #tpu.memory_space<semaphore_mem>>
    %dma_wait3A_444 = tpu.memref_squeeze %dma_wait3A_443 : memref<1x!tpu.dma_semaphore, #tpu.memory_space<semaphore_mem>> -> memref<!tpu.dma_semaphore, #tpu.memory_space<semaphore_mem>>
    %dma_wait3A_445 = arith.constant 0 : i32
    %dma_wait3A_446 = tpu.memref_slice %arg3[%add3A_434, %dma_wait3A_445] : memref<8192x2048xf32, #tpu.memory_space<hbm>> -> memref<16x2048xf32, #tpu.memory_space<hbm>>
    %dma_wait3A_447 = arith.constant 0 : i32
    %dma_wait3A_448 = arith.constant 0 : i32
    %dma_wait3A_449 = tpu.memref_slice %arg4[%dma_wait3A_435, %dma_wait3A_447, %dma_wait3A_448] : memref<2x16x2048xf32, #tpu.memory_space<vmem>> -> memref<1x16x2048xf32, #tpu.memory_space<vmem>>
    %dma_wait3A_450 = tpu.memref_squeeze %dma_wait3A_449 : memref<1x16x2048xf32, #tpu.memory_space<vmem>> -> memref<16x2048xf32, #tpu.memory_space<vmem>>
    tpu.wait_dma2 semaphore(%dma_wait3A_444 : memref<!tpu.dma_semaphore, #tpu.memory_space<semaphore_mem>>) src(%dma_wait3A_450 : memref<16x2048xf32, #tpu.memory_space<vmem>>) dst(%dma_wait3A_446 : memref<16x2048xf32, #tpu.memory_space<hbm>>)
    %add3A_451 = arith.constant 112 : i32
    %add3A_452 = arith.addi %mul3A_2, %add3A_451 : i32
    %dma_start3A_453 = arith.constant 1 : i32
    %dma_start3A_454 = arith.constant 1 : i32
    %dma_start3A_455 = arith.constant 0 : i32
    %dma_start3A_456 = arith.constant 0 : i32
    %dma_start3A_457 = tpu.memref_slice %arg4[%dma_start3A_453, %dma_start3A_455, %dma_start3A_456] : memref<2x16x2048xf32, #tpu.memory_space<vmem>> -> memref<1x16x2048xf32, #tpu.memory_space<vmem>>
    %dma_start3A_458 = tpu.memref_squeeze %dma_start3A_457 : memref<1x16x2048xf32, #tpu.memory_space<vmem>> -> memref<16x2048xf32, #tpu.memory_space<vmem>>
    %dma_start3A_459 = arith.constant 0 : i32
    %dma_start3A_460 = tpu.memref_slice %arg2[%add3A_452, %dma_start3A_459] : memref<8192x2048xf32, #tpu.memory_space<hbm>> -> memref<16x2048xf32, #tpu.memory_space<hbm>>
    %dma_start3A_461 = tpu.memref_slice %arg5[%dma_start3A_454] : memref<4x!tpu.dma_semaphore, #tpu.memory_space<semaphore_mem>> -> memref<1x!tpu.dma_semaphore, #tpu.memory_space<semaphore_mem>>
    %dma_start3A_462 = tpu.memref_squeeze %dma_start3A_461 : memref<1x!tpu.dma_semaphore, #tpu.memory_space<semaphore_mem>> -> memref<!tpu.dma_semaphore, #tpu.memory_space<semaphore_mem>>
    %dma_start3A_463 = arith.constant 0 : i32
    %dma_start3A_464 = arith.constant 0 : i32
    %dma_start3A_465 = tpu.memref_slice %arg4[%dma_start3A_453, %dma_start3A_463, %dma_start3A_464] : memref<2x16x2048xf32, #tpu.memory_space<vmem>> -> memref<1x16x2048xf32, #tpu.memory_space<vmem>>
    %dma_start3A_466 = tpu.memref_squeeze %dma_start3A_465 : memref<1x16x2048xf32, #tpu.memory_space<vmem>> -> memref<16x2048xf32, #tpu.memory_space<vmem>>
    %dma_start3A_467 = arith.constant 0 : i32
    %dma_start3A_468 = tpu.memref_slice %arg2[%add3A_452, %dma_start3A_467] : memref<8192x2048xf32, #tpu.memory_space<hbm>> -> memref<16x2048xf32, #tpu.memory_space<hbm>>
    tpu.enqueue_dma source(%dma_start3A_468 : memref<16x2048xf32, #tpu.memory_space<hbm>>) target(%dma_start3A_466 : memref<16x2048xf32, #tpu.memory_space<vmem>>) target_semaphore(%dma_start3A_462 : memref<!tpu.dma_semaphore, #tpu.memory_space<semaphore_mem>>)
    %add3A_469 = arith.constant 96 : i32
    %add3A_470 = arith.addi %mul3A_2, %add3A_469 : i32
    %dma_wait3A_471 = arith.constant 0 : i32
    %dma_wait3A_472 = arith.constant 0 : i32
    %dma_wait3A_473 = arith.constant 0 : i32
    %dma_wait3A_474 = arith.constant 0 : i32
    %dma_wait3A_475 = tpu.memref_slice %arg4[%dma_wait3A_471, %dma_wait3A_473, %dma_wait3A_474] : memref<2x16x2048xf32, #tpu.memory_space<vmem>> -> memref<1x16x2048xf32, #tpu.memory_space<vmem>>
    %dma_wait3A_476 = tpu.memref_squeeze %dma_wait3A_475 : memref<1x16x2048xf32, #tpu.memory_space<vmem>> -> memref<16x2048xf32, #tpu.memory_space<vmem>>
    %dma_wait3A_477 = arith.constant 0 : i32
    %dma_wait3A_478 = tpu.memref_slice %arg2[%add3A_470, %dma_wait3A_477] : memref<8192x2048xf32, #tpu.memory_space<hbm>> -> memref<16x2048xf32, #tpu.memory_space<hbm>>
    %dma_wait3A_479 = tpu.memref_slice %arg5[%dma_wait3A_472] : memref<4x!tpu.dma_semaphore, #tpu.memory_space<semaphore_mem>> -> memref<1x!tpu.dma_semaphore, #tpu.memory_space<semaphore_mem>>
    %dma_wait3A_480 = tpu.memref_squeeze %dma_wait3A_479 : memref<1x!tpu.dma_semaphore, #tpu.memory_space<semaphore_mem>> -> memref<!tpu.dma_semaphore, #tpu.memory_space<semaphore_mem>>
    %dma_wait3A_481 = arith.constant 0 : i32
    %dma_wait3A_482 = arith.constant 0 : i32
    %dma_wait3A_483 = tpu.memref_slice %arg4[%dma_wait3A_471, %dma_wait3A_481, %dma_wait3A_482] : memref<2x16x2048xf32, #tpu.memory_space<vmem>> -> memref<1x16x2048xf32, #tpu.memory_space<vmem>>
    %dma_wait3A_484 = tpu.memref_squeeze %dma_wait3A_483 : memref<1x16x2048xf32, #tpu.memory_space<vmem>> -> memref<16x2048xf32, #tpu.memory_space<vmem>>
    %dma_wait3A_485 = arith.constant 0 : i32
    %dma_wait3A_486 = tpu.memref_slice %arg2[%add3A_470, %dma_wait3A_485] : memref<8192x2048xf32, #tpu.memory_space<hbm>> -> memref<16x2048xf32, #tpu.memory_space<hbm>>
    tpu.wait_dma2 semaphore(%dma_wait3A_480 : memref<!tpu.dma_semaphore, #tpu.memory_space<semaphore_mem>>) src(%dma_wait3A_486 : memref<16x2048xf32, #tpu.memory_space<hbm>>) dst(%dma_wait3A_484 : memref<16x2048xf32, #tpu.memory_space<vmem>>)
    %add3A_487 = arith.constant 96 : i32
    %add3A_488 = arith.addi %mul3A_2, %add3A_487 : i32
    %dma_start3A_489 = arith.constant 0 : i32
    %dma_start3A_490 = arith.constant 2 : i32
    %dma_start3A_491 = arith.constant 0 : i32
    %dma_start3A_492 = arith.constant 0 : i32
    %dma_start3A_493 = tpu.memref_slice %arg4[%dma_start3A_489, %dma_start3A_491, %dma_start3A_492] : memref<2x16x2048xf32, #tpu.memory_space<vmem>> -> memref<1x16x2048xf32, #tpu.memory_space<vmem>>
    %dma_start3A_494 = tpu.memref_squeeze %dma_start3A_493 : memref<1x16x2048xf32, #tpu.memory_space<vmem>> -> memref<16x2048xf32, #tpu.memory_space<vmem>>
    %dma_start3A_495 = arith.constant 0 : i32
    %dma_start3A_496 = tpu.memref_slice %arg3[%add3A_488, %dma_start3A_495] : memref<8192x2048xf32, #tpu.memory_space<hbm>> -> memref<16x2048xf32, #tpu.memory_space<hbm>>
    %dma_start3A_497 = tpu.memref_slice %arg5[%dma_start3A_490] : memref<4x!tpu.dma_semaphore, #tpu.memory_space<semaphore_mem>> -> memref<1x!tpu.dma_semaphore, #tpu.memory_space<semaphore_mem>>
    %dma_start3A_498 = tpu.memref_squeeze %dma_start3A_497 : memref<1x!tpu.dma_semaphore, #tpu.memory_space<semaphore_mem>> -> memref<!tpu.dma_semaphore, #tpu.memory_space<semaphore_mem>>
    %dma_start3A_499 = arith.constant 0 : i32
    %dma_start3A_500 = tpu.memref_slice %arg3[%add3A_488, %dma_start3A_499] : memref<8192x2048xf32, #tpu.memory_space<hbm>> -> memref<16x2048xf32, #tpu.memory_space<hbm>>
    %dma_start3A_501 = arith.constant 0 : i32
    %dma_start3A_502 = arith.constant 0 : i32
    %dma_start3A_503 = tpu.memref_slice %arg4[%dma_start3A_489, %dma_start3A_501, %dma_start3A_502] : memref<2x16x2048xf32, #tpu.memory_space<vmem>> -> memref<1x16x2048xf32, #tpu.memory_space<vmem>>
    %dma_start3A_504 = tpu.memref_squeeze %dma_start3A_503 : memref<1x16x2048xf32, #tpu.memory_space<vmem>> -> memref<16x2048xf32, #tpu.memory_space<vmem>>
    tpu.enqueue_dma source(%dma_start3A_504 : memref<16x2048xf32, #tpu.memory_space<vmem>>) target(%dma_start3A_500 : memref<16x2048xf32, #tpu.memory_space<hbm>>) target_semaphore(%dma_start3A_498 : memref<!tpu.dma_semaphore, #tpu.memory_space<semaphore_mem>>)
    %add3A_505 = arith.constant 96 : i32
    %add3A_506 = arith.addi %mul3A_2, %add3A_505 : i32
    %dma_wait3A_507 = arith.constant 0 : i32
    %dma_wait3A_508 = arith.constant 2 : i32
    %dma_wait3A_509 = arith.constant 0 : i32
    %dma_wait3A_510 = arith.constant 0 : i32
    %dma_wait3A_511 = tpu.memref_slice %arg4[%dma_wait3A_507, %dma_wait3A_509, %dma_wait3A_510] : memref<2x16x2048xf32, #tpu.memory_space<vmem>> -> memref<1x16x2048xf32, #tpu.memory_space<vmem>>
    %dma_wait3A_512 = tpu.memref_squeeze %dma_wait3A_511 : memref<1x16x2048xf32, #tpu.memory_space<vmem>> -> memref<16x2048xf32, #tpu.memory_space<vmem>>
    %dma_wait3A_513 = arith.constant 0 : i32
    %dma_wait3A_514 = tpu.memref_slice %arg3[%add3A_506, %dma_wait3A_513] : memref<8192x2048xf32, #tpu.memory_space<hbm>> -> memref<16x2048xf32, #tpu.memory_space<hbm>>
    %dma_wait3A_515 = tpu.memref_slice %arg5[%dma_wait3A_508] : memref<4x!tpu.dma_semaphore, #tpu.memory_space<semaphore_mem>> -> memref<1x!tpu.dma_semaphore, #tpu.memory_space<semaphore_mem>>
    %dma_wait3A_516 = tpu.memref_squeeze %dma_wait3A_515 : memref<1x!tpu.dma_semaphore, #tpu.memory_space<semaphore_mem>> -> memref<!tpu.dma_semaphore, #tpu.memory_space<semaphore_mem>>
    %dma_wait3A_517 = arith.constant 0 : i32
    %dma_wait3A_518 = tpu.memref_slice %arg3[%add3A_506, %dma_wait3A_517] : memref<8192x2048xf32, #tpu.memory_space<hbm>> -> memref<16x2048xf32, #tpu.memory_space<hbm>>
    %dma_wait3A_519 = arith.constant 0 : i32
    %dma_wait3A_520 = arith.constant 0 : i32
    %dma_wait3A_521 = tpu.memref_slice %arg4[%dma_wait3A_507, %dma_wait3A_519, %dma_wait3A_520] : memref<2x16x2048xf32, #tpu.memory_space<vmem>> -> memref<1x16x2048xf32, #tpu.memory_space<vmem>>
    %dma_wait3A_522 = tpu.memref_squeeze %dma_wait3A_521 : memref<1x16x2048xf32, #tpu.memory_space<vmem>> -> memref<16x2048xf32, #tpu.memory_space<vmem>>
    tpu.wait_dma2 semaphore(%dma_wait3A_516 : memref<!tpu.dma_semaphore, #tpu.memory_space<semaphore_mem>>) src(%dma_wait3A_522 : memref<16x2048xf32, #tpu.memory_space<vmem>>) dst(%dma_wait3A_518 : memref<16x2048xf32, #tpu.memory_space<hbm>>)
    %add3A_523 = arith.constant 128 : i32
    %add3A_524 = arith.addi %mul3A_2, %add3A_523 : i32
    %dma_start3A_525 = arith.constant 0 : i32
    %dma_start3A_526 = arith.constant 0 : i32
    %dma_start3A_527 = arith.constant 0 : i32
    %dma_start3A_528 = arith.constant 0 : i32
    %dma_start3A_529 = tpu.memref_slice %arg4[%dma_start3A_525, %dma_start3A_527, %dma_start3A_528] : memref<2x16x2048xf32, #tpu.memory_space<vmem>> -> memref<1x16x2048xf32, #tpu.memory_space<vmem>>
    %dma_start3A_530 = tpu.memref_squeeze %dma_start3A_529 : memref<1x16x2048xf32, #tpu.memory_space<vmem>> -> memref<16x2048xf32, #tpu.memory_space<vmem>>
    %dma_start3A_531 = arith.constant 0 : i32
    %dma_start3A_532 = tpu.memref_slice %arg2[%add3A_524, %dma_start3A_531] : memref<8192x2048xf32, #tpu.memory_space<hbm>> -> memref<16x2048xf32, #tpu.memory_space<hbm>>
    %dma_start3A_533 = tpu.memref_slice %arg5[%dma_start3A_526] : memref<4x!tpu.dma_semaphore, #tpu.memory_space<semaphore_mem>> -> memref<1x!tpu.dma_semaphore, #tpu.memory_space<semaphore_mem>>
    %dma_start3A_534 = tpu.memref_squeeze %dma_start3A_533 : memref<1x!tpu.dma_semaphore, #tpu.memory_space<semaphore_mem>> -> memref<!tpu.dma_semaphore, #tpu.memory_space<semaphore_mem>>
    %dma_start3A_535 = arith.constant 0 : i32
    %dma_start3A_536 = arith.constant 0 : i32
    %dma_start3A_537 = tpu.memref_slice %arg4[%dma_start3A_525, %dma_start3A_535, %dma_start3A_536] : memref<2x16x2048xf32, #tpu.memory_space<vmem>> -> memref<1x16x2048xf32, #tpu.memory_space<vmem>>
    %dma_start3A_538 = tpu.memref_squeeze %dma_start3A_537 : memref<1x16x2048xf32, #tpu.memory_space<vmem>> -> memref<16x2048xf32, #tpu.memory_space<vmem>>
    %dma_start3A_539 = arith.constant 0 : i32
    %dma_start3A_540 = tpu.memref_slice %arg2[%add3A_524, %dma_start3A_539] : memref<8192x2048xf32, #tpu.memory_space<hbm>> -> memref<16x2048xf32, #tpu.memory_space<hbm>>
    tpu.enqueue_dma source(%dma_start3A_540 : memref<16x2048xf32, #tpu.memory_space<hbm>>) target(%dma_start3A_538 : memref<16x2048xf32, #tpu.memory_space<vmem>>) target_semaphore(%dma_start3A_534 : memref<!tpu.dma_semaphore, #tpu.memory_space<semaphore_mem>>)
    %add3A_541 = arith.constant 112 : i32
    %add3A_542 = arith.addi %mul3A_2, %add3A_541 : i32
    %dma_wait3A_543 = arith.constant 1 : i32
    %dma_wait3A_544 = arith.constant 1 : i32
    %dma_wait3A_545 = arith.constant 0 : i32
    %dma_wait3A_546 = arith.constant 0 : i32
    %dma_wait3A_547 = tpu.memref_slice %arg4[%dma_wait3A_543, %dma_wait3A_545, %dma_wait3A_546] : memref<2x16x2048xf32, #tpu.memory_space<vmem>> -> memref<1x16x2048xf32, #tpu.memory_space<vmem>>
    %dma_wait3A_548 = tpu.memref_squeeze %dma_wait3A_547 : memref<1x16x2048xf32, #tpu.memory_space<vmem>> -> memref<16x2048xf32, #tpu.memory_space<vmem>>
    %dma_wait3A_549 = arith.constant 0 : i32
    %dma_wait3A_550 = tpu.memref_slice %arg2[%add3A_542, %dma_wait3A_549] : memref<8192x2048xf32, #tpu.memory_space<hbm>> -> memref<16x2048xf32, #tpu.memory_space<hbm>>
    %dma_wait3A_551 = tpu.memref_slice %arg5[%dma_wait3A_544] : memref<4x!tpu.dma_semaphore, #tpu.memory_space<semaphore_mem>> -> memref<1x!tpu.dma_semaphore, #tpu.memory_space<semaphore_mem>>
    %dma_wait3A_552 = tpu.memref_squeeze %dma_wait3A_551 : memref<1x!tpu.dma_semaphore, #tpu.memory_space<semaphore_mem>> -> memref<!tpu.dma_semaphore, #tpu.memory_space<semaphore_mem>>
    %dma_wait3A_553 = arith.constant 0 : i32
    %dma_wait3A_554 = arith.constant 0 : i32
    %dma_wait3A_555 = tpu.memref_slice %arg4[%dma_wait3A_543, %dma_wait3A_553, %dma_wait3A_554] : memref<2x16x2048xf32, #tpu.memory_space<vmem>> -> memref<1x16x2048xf32, #tpu.memory_space<vmem>>
    %dma_wait3A_556 = tpu.memref_squeeze %dma_wait3A_555 : memref<1x16x2048xf32, #tpu.memory_space<vmem>> -> memref<16x2048xf32, #tpu.memory_space<vmem>>
    %dma_wait3A_557 = arith.constant 0 : i32
    %dma_wait3A_558 = tpu.memref_slice %arg2[%add3A_542, %dma_wait3A_557] : memref<8192x2048xf32, #tpu.memory_space<hbm>> -> memref<16x2048xf32, #tpu.memory_space<hbm>>
    tpu.wait_dma2 semaphore(%dma_wait3A_552 : memref<!tpu.dma_semaphore, #tpu.memory_space<semaphore_mem>>) src(%dma_wait3A_558 : memref<16x2048xf32, #tpu.memory_space<hbm>>) dst(%dma_wait3A_556 : memref<16x2048xf32, #tpu.memory_space<vmem>>)
    %add3A_559 = arith.constant 112 : i32
    %add3A_560 = arith.addi %mul3A_2, %add3A_559 : i32
    %dma_start3A_561 = arith.constant 1 : i32
    %dma_start3A_562 = arith.constant 3 : i32
    %dma_start3A_563 = arith.constant 0 : i32
    %dma_start3A_564 = arith.constant 0 : i32
    %dma_start3A_565 = tpu.memref_slice %arg4[%dma_start3A_561, %dma_start3A_563, %dma_start3A_564] : memref<2x16x2048xf32, #tpu.memory_space<vmem>> -> memref<1x16x2048xf32, #tpu.memory_space<vmem>>
    %dma_start3A_566 = tpu.memref_squeeze %dma_start3A_565 : memref<1x16x2048xf32, #tpu.memory_space<vmem>> -> memref<16x2048xf32, #tpu.memory_space<vmem>>
    %dma_start3A_567 = arith.constant 0 : i32
    %dma_start3A_568 = tpu.memref_slice %arg3[%add3A_560, %dma_start3A_567] : memref<8192x2048xf32, #tpu.memory_space<hbm>> -> memref<16x2048xf32, #tpu.memory_space<hbm>>
    %dma_start3A_569 = tpu.memref_slice %arg5[%dma_start3A_562] : memref<4x!tpu.dma_semaphore, #tpu.memory_space<semaphore_mem>> -> memref<1x!tpu.dma_semaphore, #tpu.memory_space<semaphore_mem>>
    %dma_start3A_570 = tpu.memref_squeeze %dma_start3A_569 : memref<1x!tpu.dma_semaphore, #tpu.memory_space<semaphore_mem>> -> memref<!tpu.dma_semaphore, #tpu.memory_space<semaphore_mem>>
    %dma_start3A_571 = arith.constant 0 : i32
    %dma_start3A_572 = tpu.memref_slice %arg3[%add3A_560, %dma_start3A_571] : memref<8192x2048xf32, #tpu.memory_space<hbm>> -> memref<16x2048xf32, #tpu.memory_space<hbm>>
    %dma_start3A_573 = arith.constant 0 : i32
    %dma_start3A_574 = arith.constant 0 : i32
    %dma_start3A_575 = tpu.memref_slice %arg4[%dma_start3A_561, %dma_start3A_573, %dma_start3A_574] : memref<2x16x2048xf32, #tpu.memory_space<vmem>> -> memref<1x16x2048xf32, #tpu.memory_space<vmem>>
    %dma_start3A_576 = tpu.memref_squeeze %dma_start3A_575 : memref<1x16x2048xf32, #tpu.memory_space<vmem>> -> memref<16x2048xf32, #tpu.memory_space<vmem>>
    tpu.enqueue_dma source(%dma_start3A_576 : memref<16x2048xf32, #tpu.memory_space<vmem>>) target(%dma_start3A_572 : memref<16x2048xf32, #tpu.memory_space<hbm>>) target_semaphore(%dma_start3A_570 : memref<!tpu.dma_semaphore, #tpu.memory_space<semaphore_mem>>)
    %add3A_577 = arith.constant 112 : i32
    %add3A_578 = arith.addi %mul3A_2, %add3A_577 : i32
    %dma_wait3A_579 = arith.constant 1 : i32
    %dma_wait3A_580 = arith.constant 3 : i32
    %dma_wait3A_581 = arith.constant 0 : i32
    %dma_wait3A_582 = arith.constant 0 : i32
    %dma_wait3A_583 = tpu.memref_slice %arg4[%dma_wait3A_579, %dma_wait3A_581, %dma_wait3A_582] : memref<2x16x2048xf32, #tpu.memory_space<vmem>> -> memref<1x16x2048xf32, #tpu.memory_space<vmem>>
    %dma_wait3A_584 = tpu.memref_squeeze %dma_wait3A_583 : memref<1x16x2048xf32, #tpu.memory_space<vmem>> -> memref<16x2048xf32, #tpu.memory_space<vmem>>
    %dma_wait3A_585 = arith.constant 0 : i32
    %dma_wait3A_586 = tpu.memref_slice %arg3[%add3A_578, %dma_wait3A_585] : memref<8192x2048xf32, #tpu.memory_space<hbm>> -> memref<16x2048xf32, #tpu.memory_space<hbm>>
    %dma_wait3A_587 = tpu.memref_slice %arg5[%dma_wait3A_580] : memref<4x!tpu.dma_semaphore, #tpu.memory_space<semaphore_mem>> -> memref<1x!tpu.dma_semaphore, #tpu.memory_space<semaphore_mem>>
    %dma_wait3A_588 = tpu.memref_squeeze %dma_wait3A_587 : memref<1x!tpu.dma_semaphore, #tpu.memory_space<semaphore_mem>> -> memref<!tpu.dma_semaphore, #tpu.memory_space<semaphore_mem>>
    %dma_wait3A_589 = arith.constant 0 : i32
    %dma_wait3A_590 = tpu.memref_slice %arg3[%add3A_578, %dma_wait3A_589] : memref<8192x2048xf32, #tpu.memory_space<hbm>> -> memref<16x2048xf32, #tpu.memory_space<hbm>>
    %dma_wait3A_591 = arith.constant 0 : i32
    %dma_wait3A_592 = arith.constant 0 : i32
    %dma_wait3A_593 = tpu.memref_slice %arg4[%dma_wait3A_579, %dma_wait3A_591, %dma_wait3A_592] : memref<2x16x2048xf32, #tpu.memory_space<vmem>> -> memref<1x16x2048xf32, #tpu.memory_space<vmem>>
    %dma_wait3A_594 = tpu.memref_squeeze %dma_wait3A_593 : memref<1x16x2048xf32, #tpu.memory_space<vmem>> -> memref<16x2048xf32, #tpu.memory_space<vmem>>
    tpu.wait_dma2 semaphore(%dma_wait3A_588 : memref<!tpu.dma_semaphore, #tpu.memory_space<semaphore_mem>>) src(%dma_wait3A_594 : memref<16x2048xf32, #tpu.memory_space<vmem>>) dst(%dma_wait3A_590 : memref<16x2048xf32, #tpu.memory_space<hbm>>)
    %add3A_595 = arith.constant 144 : i32
    %add3A_596 = arith.addi %mul3A_2, %add3A_595 : i32
    %dma_start3A_597 = arith.constant 1 : i32
    %dma_start3A_598 = arith.constant 1 : i32
    %dma_start3A_599 = arith.constant 0 : i32
    %dma_start3A_600 = arith.constant 0 : i32
    %dma_start3A_601 = tpu.memref_slice %arg4[%dma_start3A_597, %dma_start3A_599, %dma_start3A_600] : memref<2x16x2048xf32, #tpu.memory_space<vmem>> -> memref<1x16x2048xf32, #tpu.memory_space<vmem>>
    %dma_start3A_602 = tpu.memref_squeeze %dma_start3A_601 : memref<1x16x2048xf32, #tpu.memory_space<vmem>> -> memref<16x2048xf32, #tpu.memory_space<vmem>>
    %dma_start3A_603 = arith.constant 0 : i32
    %dma_start3A_604 = tpu.memref_slice %arg2[%add3A_596, %dma_start3A_603] : memref<8192x2048xf32, #tpu.memory_space<hbm>> -> memref<16x2048xf32, #tpu.memory_space<hbm>>
    %dma_start3A_605 = tpu.memref_slice %arg5[%dma_start3A_598] : memref<4x!tpu.dma_semaphore, #tpu.memory_space<semaphore_mem>> -> memref<1x!tpu.dma_semaphore, #tpu.memory_space<semaphore_mem>>
    %dma_start3A_606 = tpu.memref_squeeze %dma_start3A_605 : memref<1x!tpu.dma_semaphore, #tpu.memory_space<semaphore_mem>> -> memref<!tpu.dma_semaphore, #tpu.memory_space<semaphore_mem>>
    %dma_start3A_607 = arith.constant 0 : i32
    %dma_start3A_608 = arith.constant 0 : i32
    %dma_start3A_609 = tpu.memref_slice %arg4[%dma_start3A_597, %dma_start3A_607, %dma_start3A_608] : memref<2x16x2048xf32, #tpu.memory_space<vmem>> -> memref<1x16x2048xf32, #tpu.memory_space<vmem>>
    %dma_start3A_610 = tpu.memref_squeeze %dma_start3A_609 : memref<1x16x2048xf32, #tpu.memory_space<vmem>> -> memref<16x2048xf32, #tpu.memory_space<vmem>>
    %dma_start3A_611 = arith.constant 0 : i32
    %dma_start3A_612 = tpu.memref_slice %arg2[%add3A_596, %dma_start3A_611] : memref<8192x2048xf32, #tpu.memory_space<hbm>> -> memref<16x2048xf32, #tpu.memory_space<hbm>>
    tpu.enqueue_dma source(%dma_start3A_612 : memref<16x2048xf32, #tpu.memory_space<hbm>>) target(%dma_start3A_610 : memref<16x2048xf32, #tpu.memory_space<vmem>>) target_semaphore(%dma_start3A_606 : memref<!tpu.dma_semaphore, #tpu.memory_space<semaphore_mem>>)
    %add3A_613 = arith.constant 128 : i32
    %add3A_614 = arith.addi %mul3A_2, %add3A_613 : i32
    %dma_wait3A_615 = arith.constant 0 : i32
    %dma_wait3A_616 = arith.constant 0 : i32
    %dma_wait3A_617 = arith.constant 0 : i32
    %dma_wait3A_618 = arith.constant 0 : i32
    %dma_wait3A_619 = tpu.memref_slice %arg4[%dma_wait3A_615, %dma_wait3A_617, %dma_wait3A_618] : memref<2x16x2048xf32, #tpu.memory_space<vmem>> -> memref<1x16x2048xf32, #tpu.memory_space<vmem>>
    %dma_wait3A_620 = tpu.memref_squeeze %dma_wait3A_619 : memref<1x16x2048xf32, #tpu.memory_space<vmem>> -> memref<16x2048xf32, #tpu.memory_space<vmem>>
    %dma_wait3A_621 = arith.constant 0 : i32
    %dma_wait3A_622 = tpu.memref_slice %arg2[%add3A_614, %dma_wait3A_621] : memref<8192x2048xf32, #tpu.memory_space<hbm>> -> memref<16x2048xf32, #tpu.memory_space<hbm>>
    %dma_wait3A_623 = tpu.memref_slice %arg5[%dma_wait3A_616] : memref<4x!tpu.dma_semaphore, #tpu.memory_space<semaphore_mem>> -> memref<1x!tpu.dma_semaphore, #tpu.memory_space<semaphore_mem>>
    %dma_wait3A_624 = tpu.memref_squeeze %dma_wait3A_623 : memref<1x!tpu.dma_semaphore, #tpu.memory_space<semaphore_mem>> -> memref<!tpu.dma_semaphore, #tpu.memory_space<semaphore_mem>>
    %dma_wait3A_625 = arith.constant 0 : i32
    %dma_wait3A_626 = arith.constant 0 : i32
    %dma_wait3A_627 = tpu.memref_slice %arg4[%dma_wait3A_615, %dma_wait3A_625, %dma_wait3A_626] : memref<2x16x2048xf32, #tpu.memory_space<vmem>> -> memref<1x16x2048xf32, #tpu.memory_space<vmem>>
    %dma_wait3A_628 = tpu.memref_squeeze %dma_wait3A_627 : memref<1x16x2048xf32, #tpu.memory_space<vmem>> -> memref<16x2048xf32, #tpu.memory_space<vmem>>
    %dma_wait3A_629 = arith.constant 0 : i32
    %dma_wait3A_630 = tpu.memref_slice %arg2[%add3A_614, %dma_wait3A_629] : memref<8192x2048xf32, #tpu.memory_space<hbm>> -> memref<16x2048xf32, #tpu.memory_space<hbm>>
    tpu.wait_dma2 semaphore(%dma_wait3A_624 : memref<!tpu.dma_semaphore, #tpu.memory_space<semaphore_mem>>) src(%dma_wait3A_630 : memref<16x2048xf32, #tpu.memory_space<hbm>>) dst(%dma_wait3A_628 : memref<16x2048xf32, #tpu.memory_space<vmem>>)
    %add3A_631 = arith.constant 128 : i32
    %add3A_632 = arith.addi %mul3A_2, %add3A_631 : i32
    %dma_start3A_633 = arith.constant 0 : i32
    %dma_start3A_634 = arith.constant 2 : i32
    %dma_start3A_635 = arith.constant 0 : i32
    %dma_start3A_636 = arith.constant 0 : i32
    %dma_start3A_637 = tpu.memref_slice %arg4[%dma_start3A_633, %dma_start3A_635, %dma_start3A_636] : memref<2x16x2048xf32, #tpu.memory_space<vmem>> -> memref<1x16x2048xf32, #tpu.memory_space<vmem>>
    %dma_start3A_638 = tpu.memref_squeeze %dma_start3A_637 : memref<1x16x2048xf32, #tpu.memory_space<vmem>> -> memref<16x2048xf32, #tpu.memory_space<vmem>>
    %dma_start3A_639 = arith.constant 0 : i32
    %dma_start3A_640 = tpu.memref_slice %arg3[%add3A_632, %dma_start3A_639] : memref<8192x2048xf32, #tpu.memory_space<hbm>> -> memref<16x2048xf32, #tpu.memory_space<hbm>>
    %dma_start3A_641 = tpu.memref_slice %arg5[%dma_start3A_634] : memref<4x!tpu.dma_semaphore, #tpu.memory_space<semaphore_mem>> -> memref<1x!tpu.dma_semaphore, #tpu.memory_space<semaphore_mem>>
    %dma_start3A_642 = tpu.memref_squeeze %dma_start3A_641 : memref<1x!tpu.dma_semaphore, #tpu.memory_space<semaphore_mem>> -> memref<!tpu.dma_semaphore, #tpu.memory_space<semaphore_mem>>
    %dma_start3A_643 = arith.constant 0 : i32
    %dma_start3A_644 = tpu.memref_slice %arg3[%add3A_632, %dma_start3A_643] : memref<8192x2048xf32, #tpu.memory_space<hbm>> -> memref<16x2048xf32, #tpu.memory_space<hbm>>
    %dma_start3A_645 = arith.constant 0 : i32
    %dma_start3A_646 = arith.constant 0 : i32
    %dma_start3A_647 = tpu.memref_slice %arg4[%dma_start3A_633, %dma_start3A_645, %dma_start3A_646] : memref<2x16x2048xf32, #tpu.memory_space<vmem>> -> memref<1x16x2048xf32, #tpu.memory_space<vmem>>
    %dma_start3A_648 = tpu.memref_squeeze %dma_start3A_647 : memref<1x16x2048xf32, #tpu.memory_space<vmem>> -> memref<16x2048xf32, #tpu.memory_space<vmem>>
    tpu.enqueue_dma source(%dma_start3A_648 : memref<16x2048xf32, #tpu.memory_space<vmem>>) target(%dma_start3A_644 : memref<16x2048xf32, #tpu.memory_space<hbm>>) target_semaphore(%dma_start3A_642 : memref<!tpu.dma_semaphore, #tpu.memory_space<semaphore_mem>>)
    %add3A_649 = arith.constant 144 : i32
    %add3A_650 = arith.addi %mul3A_2, %add3A_649 : i32
    %dma_wait3A_651 = arith.constant 1 : i32
    %dma_wait3A_652 = arith.constant 1 : i32
    %dma_wait3A_653 = arith.constant 0 : i32
    %dma_wait3A_654 = arith.constant 0 : i32
    %dma_wait3A_655 = tpu.memref_slice %arg4[%dma_wait3A_651, %dma_wait3A_653, %dma_wait3A_654] : memref<2x16x2048xf32, #tpu.memory_space<vmem>> -> memref<1x16x2048xf32, #tpu.memory_space<vmem>>
    %dma_wait3A_656 = tpu.memref_squeeze %dma_wait3A_655 : memref<1x16x2048xf32, #tpu.memory_space<vmem>> -> memref<16x2048xf32, #tpu.memory_space<vmem>>
    %dma_wait3A_657 = arith.constant 0 : i32
    %dma_wait3A_658 = tpu.memref_slice %arg2[%add3A_650, %dma_wait3A_657] : memref<8192x2048xf32, #tpu.memory_space<hbm>> -> memref<16x2048xf32, #tpu.memory_space<hbm>>
    %dma_wait3A_659 = tpu.memref_slice %arg5[%dma_wait3A_652] : memref<4x!tpu.dma_semaphore, #tpu.memory_space<semaphore_mem>> -> memref<1x!tpu.dma_semaphore, #tpu.memory_space<semaphore_mem>>
    %dma_wait3A_660 = tpu.memref_squeeze %dma_wait3A_659 : memref<1x!tpu.dma_semaphore, #tpu.memory_space<semaphore_mem>> -> memref<!tpu.dma_semaphore, #tpu.memory_space<semaphore_mem>>
    %dma_wait3A_661 = arith.constant 0 : i32
    %dma_wait3A_662 = arith.constant 0 : i32
    %dma_wait3A_663 = tpu.memref_slice %arg4[%dma_wait3A_651, %dma_wait3A_661, %dma_wait3A_662] : memref<2x16x2048xf32, #tpu.memory_space<vmem>> -> memref<1x16x2048xf32, #tpu.memory_space<vmem>>
    %dma_wait3A_664 = tpu.memref_squeeze %dma_wait3A_663 : memref<1x16x2048xf32, #tpu.memory_space<vmem>> -> memref<16x2048xf32, #tpu.memory_space<vmem>>
    %dma_wait3A_665 = arith.constant 0 : i32
    %dma_wait3A_666 = tpu.memref_slice %arg2[%add3A_650, %dma_wait3A_665] : memref<8192x2048xf32, #tpu.memory_space<hbm>> -> memref<16x2048xf32, #tpu.memory_space<hbm>>
    tpu.wait_dma2 semaphore(%dma_wait3A_660 : memref<!tpu.dma_semaphore, #tpu.memory_space<semaphore_mem>>) src(%dma_wait3A_666 : memref<16x2048xf32, #tpu.memory_space<hbm>>) dst(%dma_wait3A_664 : memref<16x2048xf32, #tpu.memory_space<vmem>>)
    %add3A_667 = arith.constant 144 : i32
    %add3A_668 = arith.addi %mul3A_2, %add3A_667 : i32
    %dma_start3A_669 = arith.constant 1 : i32
    %dma_start3A_670 = arith.constant 3 : i32
    %dma_start3A_671 = arith.constant 0 : i32
    %dma_start3A_672 = arith.constant 0 : i32
    %dma_start3A_673 = tpu.memref_slice %arg4[%dma_start3A_669, %dma_start3A_671, %dma_start3A_672] : memref<2x16x2048xf32, #tpu.memory_space<vmem>> -> memref<1x16x2048xf32, #tpu.memory_space<vmem>>
    %dma_start3A_674 = tpu.memref_squeeze %dma_start3A_673 : memref<1x16x2048xf32, #tpu.memory_space<vmem>> -> memref<16x2048xf32, #tpu.memory_space<vmem>>
    %dma_start3A_675 = arith.constant 0 : i32
    %dma_start3A_676 = tpu.memref_slice %arg3[%add3A_668, %dma_start3A_675] : memref<8192x2048xf32, #tpu.memory_space<hbm>> -> memref<16x2048xf32, #tpu.memory_space<hbm>>
    %dma_start3A_677 = tpu.memref_slice %arg5[%dma_start3A_670] : memref<4x!tpu.dma_semaphore, #tpu.memory_space<semaphore_mem>> -> memref<1x!tpu.dma_semaphore, #tpu.memory_space<semaphore_mem>>
    %dma_start3A_678 = tpu.memref_squeeze %dma_start3A_677 : memref<1x!tpu.dma_semaphore, #tpu.memory_space<semaphore_mem>> -> memref<!tpu.dma_semaphore, #tpu.memory_space<semaphore_mem>>
    %dma_start3A_679 = arith.constant 0 : i32
    %dma_start3A_680 = tpu.memref_slice %arg3[%add3A_668, %dma_start3A_679] : memref<8192x2048xf32, #tpu.memory_space<hbm>> -> memref<16x2048xf32, #tpu.memory_space<hbm>>
    %dma_start3A_681 = arith.constant 0 : i32
    %dma_start3A_682 = arith.constant 0 : i32
    %dma_start3A_683 = tpu.memref_slice %arg4[%dma_start3A_669, %dma_start3A_681, %dma_start3A_682] : memref<2x16x2048xf32, #tpu.memory_space<vmem>> -> memref<1x16x2048xf32, #tpu.memory_space<vmem>>
    %dma_start3A_684 = tpu.memref_squeeze %dma_start3A_683 : memref<1x16x2048xf32, #tpu.memory_space<vmem>> -> memref<16x2048xf32, #tpu.memory_space<vmem>>
    tpu.enqueue_dma source(%dma_start3A_684 : memref<16x2048xf32, #tpu.memory_space<vmem>>) target(%dma_start3A_680 : memref<16x2048xf32, #tpu.memory_space<hbm>>) target_semaphore(%dma_start3A_678 : memref<!tpu.dma_semaphore, #tpu.memory_space<semaphore_mem>>)
    %add3A_685 = arith.constant 128 : i32
    %add3A_686 = arith.addi %mul3A_2, %add3A_685 : i32
    %dma_wait3A_687 = arith.constant 0 : i32
    %dma_wait3A_688 = arith.constant 2 : i32
    %dma_wait3A_689 = arith.constant 0 : i32
    %dma_wait3A_690 = arith.constant 0 : i32
    %dma_wait3A_691 = tpu.memref_slice %arg4[%dma_wait3A_687, %dma_wait3A_689, %dma_wait3A_690] : memref<2x16x2048xf32, #tpu.memory_space<vmem>> -> memref<1x16x2048xf32, #tpu.memory_space<vmem>>
    %dma_wait3A_692 = tpu.memref_squeeze %dma_wait3A_691 : memref<1x16x2048xf32, #tpu.memory_space<vmem>> -> memref<16x2048xf32, #tpu.memory_space<vmem>>
    %dma_wait3A_693 = arith.constant 0 : i32
    %dma_wait3A_694 = tpu.memref_slice %arg3[%add3A_686, %dma_wait3A_693] : memref<8192x2048xf32, #tpu.memory_space<hbm>> -> memref<16x2048xf32, #tpu.memory_space<hbm>>
    %dma_wait3A_695 = tpu.memref_slice %arg5[%dma_wait3A_688] : memref<4x!tpu.dma_semaphore, #tpu.memory_space<semaphore_mem>> -> memref<1x!tpu.dma_semaphore, #tpu.memory_space<semaphore_mem>>
    %dma_wait3A_696 = tpu.memref_squeeze %dma_wait3A_695 : memref<1x!tpu.dma_semaphore, #tpu.memory_space<semaphore_mem>> -> memref<!tpu.dma_semaphore, #tpu.memory_space<semaphore_mem>>
    %dma_wait3A_697 = arith.constant 0 : i32
    %dma_wait3A_698 = tpu.memref_slice %arg3[%add3A_686, %dma_wait3A_697] : memref<8192x2048xf32, #tpu.memory_space<hbm>> -> memref<16x2048xf32, #tpu.memory_space<hbm>>
    %dma_wait3A_699 = arith.constant 0 : i32
    %dma_wait3A_700 = arith.constant 0 : i32
    %dma_wait3A_701 = tpu.memref_slice %arg4[%dma_wait3A_687, %dma_wait3A_699, %dma_wait3A_700] : memref<2x16x2048xf32, #tpu.memory_space<vmem>> -> memref<1x16x2048xf32, #tpu.memory_space<vmem>>
    %dma_wait3A_702 = tpu.memref_squeeze %dma_wait3A_701 : memref<1x16x2048xf32, #tpu.memory_space<vmem>> -> memref<16x2048xf32, #tpu.memory_space<vmem>>
    tpu.wait_dma2 semaphore(%dma_wait3A_696 : memref<!tpu.dma_semaphore, #tpu.memory_space<semaphore_mem>>) src(%dma_wait3A_702 : memref<16x2048xf32, #tpu.memory_space<vmem>>) dst(%dma_wait3A_698 : memref<16x2048xf32, #tpu.memory_space<hbm>>)
    %add3A_703 = arith.constant 144 : i32
    %add3A_704 = arith.addi %mul3A_2, %add3A_703 : i32
    %dma_wait3A_705 = arith.constant 1 : i32
    %dma_wait3A_706 = arith.constant 3 : i32
    %dma_wait3A_707 = arith.constant 0 : i32
    %dma_wait3A_708 = arith.constant 0 : i32
    %dma_wait3A_709 = tpu.memref_slice %arg4[%dma_wait3A_705, %dma_wait3A_707, %dma_wait3A_708] : memref<2x16x2048xf32, #tpu.memory_space<vmem>> -> memref<1x16x2048xf32, #tpu.memory_space<vmem>>
    %dma_wait3A_710 = tpu.memref_squeeze %dma_wait3A_709 : memref<1x16x2048xf32, #tpu.memory_space<vmem>> -> memref<16x2048xf32, #tpu.memory_space<vmem>>
    %dma_wait3A_711 = arith.constant 0 : i32
    %dma_wait3A_712 = tpu.memref_slice %arg3[%add3A_704, %dma_wait3A_711] : memref<8192x2048xf32, #tpu.memory_space<hbm>> -> memref<16x2048xf32, #tpu.memory_space<hbm>>
    %dma_wait3A_713 = tpu.memref_slice %arg5[%dma_wait3A_706] : memref<4x!tpu.dma_semaphore, #tpu.memory_space<semaphore_mem>> -> memref<1x!tpu.dma_semaphore, #tpu.memory_space<semaphore_mem>>
    %dma_wait3A_714 = tpu.memref_squeeze %dma_wait3A_713 : memref<1x!tpu.dma_semaphore, #tpu.memory_space<semaphore_mem>> -> memref<!tpu.dma_semaphore, #tpu.memory_space<semaphore_mem>>
    %dma_wait3A_715 = arith.constant 0 : i32
    %dma_wait3A_716 = tpu.memref_slice %arg3[%add3A_704, %dma_wait3A_715] : memref<8192x2048xf32, #tpu.memory_space<hbm>> -> memref<16x2048xf32, #tpu.memory_space<hbm>>
    %dma_wait3A_717 = arith.constant 0 : i32
    %dma_wait3A_718 = arith.constant 0 : i32
    %dma_wait3A_719 = tpu.memref_slice %arg4[%dma_wait3A_705, %dma_wait3A_717, %dma_wait3A_718] : memref<2x16x2048xf32, #tpu.memory_space<vmem>> -> memref<1x16x2048xf32, #tpu.memory_space<vmem>>
    %dma_wait3A_720 = tpu.memref_squeeze %dma_wait3A_719 : memref<1x16x2048xf32, #tpu.memory_space<vmem>> -> memref<16x2048xf32, #tpu.memory_space<vmem>>
    tpu.wait_dma2 semaphore(%dma_wait3A_714 : memref<!tpu.dma_semaphore, #tpu.memory_space<semaphore_mem>>) src(%dma_wait3A_720 : memref<16x2048xf32, #tpu.memory_space<vmem>>) dst(%dma_wait3A_716 : memref<16x2048xf32, #tpu.memory_space<hbm>>)
    return
  }
}

</mosaic_0001>

<sc_bundles>
// kernel: kernel.3.cloned.1.call-start
scs
__scs_entry_jumppad:
0x0: {  	(pc) =	sbr.rel $0x88, $3  }
0x1: {  	(tag) =	ssettag $0x0;
	lr =	simm.s32 $0x1  }
0x2: {  	[smem:$0x3FA0] =	sst lr;
	_ =	strace $0xD0000000  }
0x3: {  	_ = 	snop  }
0x4: {  	_ = 	snop  }
0x5: {  	_ = 	snop  }
0x6: {  	_ = 	snop  }
0x7: {  	_ = 	snop  }
__scs_overlays_trampoline_lowered:
0x8: {  	[smem:$0x3FAF] =	sst s0  }
0x9: {  	[smem:$0x3FB0] =	sst s1  }
0xa: {  	[smem:$0x3FB1] =	sst s2  }
0xb: {  	[smem:$0x3FB2] =	sst s3  }
0xc: {  	[smem:$0x3FB3] =	sst s4  }
0xd: {  	[smem:$0x3FB4] =	sst s5  }
0xe: {  	[smem:$0x3FB5] =	sst s6  }
0xf: {  	[smem:$0x3FB6] =	sst s7  }
0x10: {  	[smem:$0x3FB7] =	sst s8  }
0x11: {  	[smem:$0x3FB8] =	sst s9;
	s0 =	simm.s32 @!p0 $0x0  }
0x12: {  	s1 =	sld [smem:$0x3F9E];
	s0 =	simm.s32 @p0 $0x1  }
0x13: {  	[smem:$0x3FB9] =	sst s0;
	s0 =	simm.s32 @!p1 $0x0  }
0x14: {  	s2 =	sld [smem:$0x3F9D];
	s0 =	simm.s32 @p1 $0x1  }
0x15: {  	[smem:$0x3FBA] =	sst s0;
	s0 =	simm.s32 @!p2 $0x0  }
0x16: {  	s3 =	sld [smem:$0x3FDB];
	s0 =	simm.s32 @p2 $0x1  }
0x17: {  	s4 =	simm.s32 $0x1BF5;
	[smem:$0x3FBC] =	sst s0  }
0x18: {  	s0 =	sld [smem:$0x3F9F];
	_ =	swait.ge [sflag:s4], $0x0  }
0x19: {  	s7 =	sld [smem:$0x3FA0]  }
0x1a: {  	s8 =	sadd.s32 $0xFFFFE003, lr  }
0x1b: {  	s9 =	sadd.s32 $0xFFFFFEF7, lr;
	s5 =	simm.s32 $0xFFFFFFFF;
	p2 =	slt.u32 s8, $0xFFFFF086  }
0x1c: {  	p1 =	slt.u32 s9, $0xF7A;
	s5 =	simm.s32 @!p2 $0x0  }
0x1d: {  	s5 =	simm.s32 @p1 $0x1;
	p0 =	seq.s32 s7, s2  }
0x1e: {  	s7 =	smul.u32 @!p0 $0xF7A, s2;
	p2 =	seq.s32 @!p0 s5, $0x0  }
0x1f: {  	s9 =	smul.u32 $0xF7A, s1;
	s8 =	simm.s32 @!p0 $0x1BF5;
	p2 =	por !p2, p0  }
0x20: {  	[sflag:s8] =	ssyncset.s32 @!p0 $0xFFFFF086;
	s6 =	sadd.s32 @!p0 s3, s7;
	s7 =	simm.s32 @!p0 $0x108  }
0x21: {  	s3 =	sadd.s32 s3, s9;
	s6 =	sadd.s32 @!p0 $0x88, s6;
	s7 =	simm.s32 @p2 $0x1082  }
0x22: {  	[simem:s7], [sflag:s8] =	dma.local @!p0 [hbm:s6], $0xF7A  }
0x23: {  	s9 =	sor.u32 $0xD0000000, s2;
	s6 =	simm.s32 $0x108;
	_ =	swait.ge @!p0 [sflag:s8], $0x0  }
0x24: {  	s3 =	sadd.s32 $0x88, s3;
	s6 =	simm.s32 @!p1 $0x1082;
	[sflag:s4] =	ssyncset.s32 $0xFFFFF086  }
0x25: {  	[simem:s6], [sflag:s4] =	dma.local [hbm:s3], $0xF7A  }
0x26: {  	[smem:$0x3FA0] =	sst s1;
	(tag) =	ssettag s2;
	_ =	strace s9  }
0x27: {  	s1 =	sld [smem:$0x3FB0]  }
0x28: {  	s2 =	sld [smem:$0x3FB1]  }
0x29: {  	s4 =	sld [smem:$0x3FB3]  }
0x2a: {  	p0 =	seq.s32 s5, $0x0;
	s5 =	sld [smem:$0x3FB4]  }
0x2b: {  	s6 =	sld [smem:$0x3FB5]  }
0x2c: {  	s7 =	sld [smem:$0x3FB6]  }
0x2d: {  	s3 =	simm.s32 $0x108;
	s8 =	sld [smem:$0x3FB7]  }
0x2e: {  	s3 =	simm.s32 @!p0 $0x1082;
	s9 =	sld [smem:$0x3FB8]  }
0x2f: {  	lr =	sadd.s32 s0, s3;
	s0 =	sld [smem:$0x3FAF]  }
0x30: {  	s3 =	sld [smem:$0x3FB2]  }
0x31: {  	[smem:$0x3FBB] =	sst s10  }
0x32: {  	s10 =	sld [smem:$0x3FB9];
	_ =	sdelay $0x3  }
0x33: {  	p0 =	seq.s32 s10, $0x1;
	s10 =	sld [smem:$0x3FBB];
	_ =	sdelay $0x3  }
0x34: {  	[smem:$0x3FBB] =	sst s10  }
0x35: {  	s10 =	sld [smem:$0x3FBA];
	_ =	sdelay $0x3  }
0x36: {  	p1 =	seq.s32 s10, $0x1;
	s10 =	sld [smem:$0x3FBB];
	_ =	sdelay $0x3  }
0x37: {  	[smem:$0x3FBB] =	sst s10  }
0x38: {  	s10 =	sld [smem:$0x3FBC]  }
0x39: {  	_ = 	snop;
	(pc) =	sbr.ind lr, $3  }
0x3a: {  	_ = 	snop  }
0x3b: {  	_ = 	snop  }
0x3c: {  	p2 =	seq.s32 s10, $0x1;
	s10 =	sld [smem:$0x3FBB]  }
0x3d: {  	_ =	shalt  }
0x3e: {  	_ =	shalt  }
0x3f: {  	_ =	shalt  }
0x40: {  	_ =	shalt  }
0x41: {  	_ =	shalt  }
0x42: {  	_ =	shalt  }
0x43: {  	_ =	shalt  }
0x44: {  	_ =	shalt  }
0x45: {  	_ =	shalt  }
0x46: {  	_ =	shalt  }
0x47: {  	_ =	shalt  }
0x48: {  	_ =	shalt  }
0x49: {  	_ =	shalt  }
0x4a: {  	_ =	shalt  }
0x4b: {  	_ =	shalt  }
0x4c: {  	_ =	shalt  }
0x4d: {  	_ =	shalt  }
0x4e: {  	_ =	shalt  }
0x4f: {  	_ =	shalt  }
0x50: {  	_ =	shalt  }
0x51: {  	_ =	shalt  }
0x52: {  	_ =	shalt  }
0x53: {  	_ =	shalt  }
0x54: {  	_ =	shalt  }
0x55: {  	_ =	shalt  }
0x56: {  	_ =	shalt  }
0x57: {  	_ =	shalt  }
0x58: {  	_ =	shalt  }
0x59: {  	_ =	shalt  }
0x5a: {  	_ =	shalt  }
0x5b: {  	_ =	shalt  }
0x5c: {  	_ =	shalt  }
0x5d: {  	_ =	shalt  }
0x5e: {  	_ =	shalt  }
0x5f: {  	_ =	shalt  }
0x60: {  	_ =	shalt  }
0x61: {  	_ =	shalt  }
0x62: {  	_ =	shalt  }
0x63: {  	_ =	shalt  }
0x64: {  	_ =	shalt  }
0x65: {  	_ =	shalt  }
0x66: {  	_ =	shalt  }
0x67: {  	_ =	shalt  }
0x68: {  	_ =	shalt  }
0x69: {  	_ =	shalt  }
0x6a: {  	_ =	shalt  }
0x6b: {  	_ =	shalt  }
0x6c: {  	_ =	shalt  }
0x6d: {  	_ =	shalt  }
0x6e: {  	_ =	shalt  }
0x6f: {  	_ =	shalt  }
0x70: {  	_ =	shalt  }
0x71: {  	_ =	shalt  }
0x72: {  	_ =	shalt  }
0x73: {  	_ =	shalt  }
0x74: {  	_ =	shalt  }
0x75: {  	_ =	shalt  }
0x76: {  	_ =	shalt  }
0x77: {  	_ =	shalt  }
0x78: {  	_ =	shalt  }
0x79: {  	_ =	shalt  }
0x7a: {  	_ =	shalt  }
0x7b: {  	_ =	shalt  }
0x7c: {  	_ =	shalt  }
0x7d: {  	_ =	shalt  }
0x7e: {  	_ =	shalt  }
0x7f: {  	_ =	shalt  }
0x80: {  	_ =	shalt  }
0x81: {  	_ =	shalt  }
0x82: {  	_ =	shalt  }
0x83: {  	_ =	shalt  }
0x84: {  	_ =	shalt  }
0x85: {  	_ =	shalt  }
0x86: {  	_ =	shalt  }
0x87: {  	_ =	shalt  }
.Lfunc_end0:
.L_simem_size_0:
called_computation_lowered:
.L_overlay_start_0:
0x88: {  	s1 =	sld [smem:$0x3FD9]  }
0x89: {  	s3 =	sld [smem:$0x3FFE];
	_ =	sdelay $0x1  }
0x8a: {  	s2 =	srdreg.scid  }
0x8b: {  	s0 =	sand.u32 $0x1, s2  }
0x8c: {  	s30 =	sshll.u32 s0, $0xA;
	s1 =	sadd.s32 s3, s1  }
0x8d: {  	s1 =	sadd.s32 s1, s30  }
0x8e: {  	[smem:$0x3FC7] =	sst s1  }
0x8f: {  	_ = 	snop  }
0x90: {  	s1 =	simm.s32 $0x0;
	s4 =	sld [smem:$0x3FC9]  }
0x91: {  	[smem:$0xF] =	sst s1  }
0x92: {  	s31 =	sld [smem:$0x3FD0];
	(tm) =	ssettm $0x1  }
0x93: {  	s5 =	sld [smem:$0x3FFB];
	_ =	sdelay $0x3  }
0x94: {  	_ =	strace s5  }
0x95: {  	s5 =	sld [smem:$0x3FFC];
	_ =	sdelay $0x3  }
0x96: {  	_ =	strace s5  }
0x97: {  	s5 =	sld [smem:$0x3FFD];
	_ =	sdelay $0x3  }
0x98: {  	_ =	strace s5  }
0x99: {  	_ =	strace $0x8FFFFFFF  }
0x9a: {  	s9 =	sld [smem:$0x3FDB];
	_ =	sdelay $0x2  }
0x9b: {  	s6 =	simm.s32 $_scs_section_size;
	s7 =	simm.s32 $_tile_overlayer_lowered  }
0x9c: {  	s10 =	simm.s32 $_size__tile_overlayer_lowered;
	s7 =	sshll.u32 s7, $0x1;
	s5 =	sadd.s32 s6, s9  }
0x9d: {  	s8 =	simm.s32 $0x1BFF;
	s6 =	sshll.u32 s10, $0x1;
	s7 =	sadd.s32 s7, s5  }
0x9e: {  	[timem:s1], [sflag:s8] =	dma.local [hbm:s7], s6  }
0x9f: {  	_ =	swait.ge [sflag:s8], s6  }
0xa0: {  	s6 =	ssub.s32 $0x0, s6;
	[sflag:s8] =	ssyncset.done $0x0  }
0xa1: {  	[sflag:s8] =	ssyncadd.s32 s6;
	_ =	sdelay $0x1  }
0xa2: {  	s11 =	simm.s32 $0x1B8B  }
0xa3: {  	_ =	swait.ge [sflag:s11], $0x1  }
0xa4: {  	[sflag:s11] =	ssyncset.done $0x0  }
0xa5: {  	s12 =	simm.s32 $0x1B8E;
	[sflag:s11] =	ssyncadd.s32 $0xFFFFFFFF  }
0xa6: {  	s13 =	simm.s32 $execute0_lowered;
	[smem:$0x3FD2] =	sst s12  }
0xa7: {  	s6 =	sshll.u32 s13, $0x1;
	_ =	strace $0x80000046;
	[dreg:$0x1] =	wrdreg $0xFFFFFFFF  }
0xa8: {  	s14 =	simm.s32 $_size_execute0_lowered;
	s5 =	sadd.s32 s5, s6;
	[dreg:$0x0] =	wrdreg $0x0  }
0xa9: {  	s6 =	sshll.u32 s14, $0x1;
	[dreg:$0x2] =	wrdreg s5  }
0xaa: {  	[dreg:$0x3] =	wrdreg s6  }
0xab: {  	[dreg:$0x4] =	wrdreg $0xC0  }
0xac: {  	_ =	task [dreg:s1], $0x5FFFF  }
0xad: {  	[dreg:$0x1] =	wrdreg $0xFFFFFFFF  }
0xae: {  	s18 =	simm.s32 $0xA;
	s15 =	smul.u32 $0x300000, s0;
	[dreg:$0x0] =	wrdreg $0x60  }
0xaf: {  	s9 =	simm.s32 $0x20000;
	s11 =	simm.s32 $0xB;
	[dreg:$0x2] =	wrdreg s4  }
0xb0: {  	s12 =	simm.s32 $0x30000;
	s5 =	sshrl.u32 s15, $0x3;
	[dreg:$0x3] =	wrdreg s31  }
0xb1: {  	s16 =	sadd.s32 $0x140000, s5;
	s19 =	sadd.s32 $0x150000, s5;
	[dreg:$0x4] =	wrdreg $0x9  }
0xb2: {  	s17 =	sadd.s32 s16, s4;
	s10 =	sadd.s32 s19, s4;
	_ =	task.clear_ibuf [dreg:s1], $0x5FFFF  }
0xb3: {  	[spmem:s9], [sflag:s18] =	dma.local [hbm:s17], $0x10000  }
0xb4: {  	[spmem:s12], [sflag:s11] =	dma.local [hbm:s10], $0x10000  }
0xb5: {  	_ =	swait.ge [sflag:s18], $0x10000  }
0xb6: {  	[sflag:s18] =	ssyncset.done $0x0  }
0xb7: {  	[sflag:s18] =	ssyncadd.s32 $0xFFFF0000  }
0xb8: {  	s20 =	simm.s32 $0xC;
	s6 =	sadd.s32 s16, s31  }
0xb9: {  	[hbm:s6], [sflag:s20] =	dma.local [spmem:s9], $0x10000  }
0xba: {  	_ =	swait.ge [sflag:s20], $0x10000  }
0xbb: {  	[sflag:s20] =	ssyncset.done $0x0  }
0xbc: {  	s21 =	sadd.s32 $0x160000, s5;
	[sflag:s20] =	ssyncadd.s32 $0xFFFF0000  }
0xbd: {  	s13 =	sadd.s32 s21, s4  }
0xbe: {  	[spmem:s9], [sflag:s18] =	dma.local [hbm:s13], $0x10000  }
0xbf: {  	_ =	swait.ge [sflag:s11], $0x10000  }
0xc0: {  	[sflag:s11] =	ssyncset.done $0x0  }
0xc1: {  	[sflag:s11] =	ssyncadd.s32 $0xFFFF0000  }
0xc2: {  	s22 =	simm.s32 $0xD;
	s7 =	sadd.s32 s19, s31  }
0xc3: {  	[hbm:s7], [sflag:s22] =	dma.local [spmem:s12], $0x10000  }
0xc4: {  	_ =	swait.ge [sflag:s22], $0x10000  }
0xc5: {  	[sflag:s22] =	ssyncset.done $0x0  }
0xc6: {  	s5 =	sadd.s32 $0x170000, s5;
	[sflag:s22] =	ssyncadd.s32 $0xFFFF0000  }
0xc7: {  	s23 =	sadd.s32 s5, s4  }
0xc8: {  	[spmem:s12], [sflag:s11] =	dma.local [hbm:s23], $0x10000  }
0xc9: {  	_ =	swait.ge [sflag:s18], $0x10000  }
0xca: {  	[sflag:s18] =	ssyncset.done $0x0  }
0xcb: {  	[sflag:s18] =	ssyncadd.s32 $0xFFFF0000  }
0xcc: {  	s6 =	sadd.s32 s21, s31  }
0xcd: {  	[hbm:s6], [sflag:s20] =	dma.local [spmem:s9], $0x10000  }
0xce: {  	s24 =	smul.u32 $0x60000, s0;
	_ =	swait.ge [sflag:s20], $0x10000  }
0xcf: {  	[sflag:s20] =	ssyncset.done $0x0  }
0xd0: {  	s25 =	sor.u32 $0x180000, s24;
	[sflag:s20] =	ssyncadd.s32 $0xFFFF0000  }
0xd1: {  	s14 =	sadd.s32 s25, s4  }
0xd2: {  	[spmem:s9], [sflag:s18] =	dma.local [hbm:s14], $0x10000  }
0xd3: {  	_ =	swait.ge [sflag:s11], $0x10000  }
0xd4: {  	[sflag:s11] =	ssyncset.done $0x0  }
0xd5: {  	[sflag:s11] =	ssyncadd.s32 $0xFFFF0000  }
0xd6: {  	s5 =	sadd.s32 s5, s31  }
0xd7: {  	[hbm:s5], [sflag:s22] =	dma.local [spmem:s12], $0x10000  }
0xd8: {  	_ =	swait.ge [sflag:s22], $0x10000  }
0xd9: {  	[sflag:s22] =	ssyncset.done $0x0  }
0xda: {  	s26 =	sor.u32 $0x190000, s24;
	[sflag:s22] =	ssyncadd.s32 $0xFFFF0000  }
0xdb: {  	s4 =	sadd.s32 s26, s4  }
0xdc: {  	[spmem:s12], [sflag:s11] =	dma.local [hbm:s4], $0x10000  }
0xdd: {  	_ =	swait.ge [sflag:s18], $0x10000  }
0xde: {  	[sflag:s18] =	ssyncset.done $0x0  }
0xdf: {  	[sflag:s18] =	ssyncadd.s32 $0xFFFF0000  }
0xe0: {  	s28 =	sadd.s32 s25, s31  }
0xe1: {  	[hbm:s28], [sflag:s20] =	dma.local [spmem:s9], $0x10000  }
0xe2: {  	_ =	swait.ge [sflag:s11], $0x10000  }
0xe3: {  	[sflag:s11] =	ssyncset.done $0x0  }
0xe4: {  	[sflag:s11] =	ssyncadd.s32 $0xFFFF0000  }
0xe5: {  	s3 =	sadd.s32 s26, s31  }
0xe6: {  	[hbm:s3], [sflag:s22] =	dma.local [spmem:s12], $0x10000  }
0xe7: {  	_ =	swait.ge [sflag:s20], $0x10000  }
0xe8: {  	[sflag:s20] =	ssyncset.done $0x0  }
0xe9: {  	[sflag:s20] =	ssyncadd.s32 $0xFFFF0000;
	_ =	sdelay $0x2  }
0xea: {  	_ =	swait.ge [sflag:s22], $0x10000  }
0xeb: {  	[sflag:s22] =	ssyncset.done $0x0  }
0xec: {  	[sflag:s22] =	ssyncadd.s32 $0xFFFF0000  }
0xed: {  	_ =	strace $0x90000046  }
0xee: {  	s29 =	simm.s32 $0x9;
	_ =	strace $0x80000048  }
0xef: {  	_ =	swait.ge [sflag:s29], $0x1  }
0xf0: {  	[sflag:s29] =	ssyncadd.s32 $0xFFFFFFFF  }
0xf1: {  	_ =	strace $0x90000048  }
0xf2: {  	_ =	sfence  }
0xf3: {  	s30 =	sld [smem:$0x0];
	_ =	sdelay $0x2  }
0xf4: {  	s31 =	sshll.u32 s2, $0xD;
	s2 =	sshrl.u32 s2, $0x2  }
0xf5: {  	s4 =	sand.u32 $0x4000, s31;
	s2 =	sadd.s32 s2, s30  }
0xf6: {  	s0 =	sor.u32 s4, s0;
	s2 =	sshll.u32 s2, $0x11  }
0xf7: {  	s0 =	sor.u32 s2, s0  }
0xf8: {  	s0 =	sadd.s32 $0x8F2B, s0  }
0xf9: {  	[sflag:s0] =	ssyncadd.remote.s32 $0x1  }
0xfa: {  	_ =	sfence.sel $0xFFFF  }
0xfb: {  	[dreg:$0x0] =	wrdreg $0xFFFFFFFF;
	(pc) =	sbr.abs _section_cstart, $3  }
0xfc: {  	[dreg:$0x1] =	wrdreg $0xFFFFFFFF  }
0xfd: {  	_ =	task.clear_ibuf [dreg:s1], $0x2FFFF;
	_ =	strace $0x9FFFFFFF  }
0xfe: {  	(tm) =	ssettm $0x7FFFFFFF  }
0xff: {  	_ =	shalt  }
tec
execute0_lowered:
.L_overlay_start_1:
0x0: {  	(tag) =	ssettag $0x1  }
0x1: {  	s1 =	srdreg.scid;
	s0 =	stileid.u32  }
0x2: {  	s25 =	rddreg [dreg:$0x0];
	s29 =	sand.u32 $0x1, s1;
	s30 =	sshll.u32 s0, $0x1  }
0x3: {  	s28 =	rddreg [dreg:$0x1];
	s8 =	sor.u32 s29, s30  }
0x4: {  	s2 =	simm.s32 $0x0;
	s1 =	rddreg [dreg:$0x2];
	s7 =	smul.u32 $0xA000, s8  }
0x5: {  	[smem:$0x7FF] =	sst s2  }
0x6: {  	_ =	strace $0x80000047;
	s3 =	sadd.s32 s25, s7;
	s11 =	sor.u32 $0x1000, s7  }
0x7: {  	[tilespmem:s2], [sflag:$0x1] =	stream.linear.gather [hbm4b:s3+s2], $0x8000, $0x38;
	v63 =	vld [tilespmem:$0x0]  }
0x8: {  	s5 =	simm.s32 $0x8000;
	s6 =	simm.s32 $0x1;
	s4 =	sadd.s32 s25, s11  }
0x9: {  	[tilespmem:s5], [sflag:$0x2] =	stream.linear.gather [hbm4b:s4+s2], $0x8000, $0x38;
	v63 =	vld [tilespmem:$0x0]  }
0xa: {  	_ =	swait.ge [sflag:s6], $0x8000  }
0xb: {  	s9 =	smul.u32 $0x50000, s8;
	[sflag:s6] =	ssyncset.done $0x0  }
0xc: {  	s8 =	simm.s32 $0x3;
	s7 =	sadd.s32 s28, s7;
	[sflag:s6] =	ssyncadd.s32 $0xFFFF8000  }
0xd: {  	[hbm4b:s7+s2] =	stream.linear.scatter [tilespmem:s2], [sflag:$0x3], $0x8000, $0x38;
	v63 =	vld [tilespmem:$0x0]  }
0xe: {  	s26 =	sshrl.u32 s9, $0x3;
	_ =	swait.ge [sflag:s8], $0x8000  }
0xf: {  	s14 =	sadd.s32 $0x2000, s26;
	[sflag:s8] =	ssyncset.done $0x0  }
0x10: {  	s10 =	simm.s32 $0x2;
	s9 =	sadd.s32 s25, s14;
	[sflag:s8] =	ssyncadd.s32 $0xFFFF8000  }
0x11: {  	[tilespmem:s2], [sflag:$0x1] =	stream.linear.gather [hbm4b:s9+s2], $0x8000, $0x38;
	v63 =	vld [tilespmem:$0x0]  }
0x12: {  	_ =	swait.ge [sflag:s10], $0x8000  }
0x13: {  	[sflag:s10] =	ssyncset.done $0x0  }
0x14: {  	s12 =	sadd.s32 s28, s11;
	s11 =	simm.s32 $0x4;
	[sflag:s10] =	ssyncadd.s32 $0xFFFF8000  }
0x15: {  	[hbm4b:s12+s2] =	stream.linear.scatter [tilespmem:s5], [sflag:$0x4], $0x8000, $0x38;
	v63 =	vld [tilespmem:$0x0]  }
0x16: {  	_ =	swait.ge [sflag:s11], $0x8000  }
0x17: {  	s16 =	sadd.s32 $0x3000, s26;
	[sflag:s11] =	ssyncset.done $0x0  }
0x18: {  	s13 =	sadd.s32 s25, s16;
	[sflag:s11] =	ssyncadd.s32 $0xFFFF8000  }
0x19: {  	[tilespmem:s5], [sflag:$0x2] =	stream.linear.gather [hbm4b:s13+s2], $0x8000, $0x38;
	v63 =	vld [tilespmem:$0x0]  }
0x1a: {  	_ =	swait.ge [sflag:s6], $0x8000  }
0x1b: {  	[sflag:s6] =	ssyncset.done $0x0  }
0x1c: {  	s14 =	sadd.s32 s28, s14;
	[sflag:s6] =	ssyncadd.s32 $0xFFFF8000  }
0x1d: {  	[hbm4b:s14+s2] =	stream.linear.scatter [tilespmem:s2], [sflag:$0x3], $0x8000, $0x38;
	v63 =	vld [tilespmem:$0x0]  }
0x1e: {  	_ =	swait.ge [sflag:s8], $0x8000  }
0x1f: {  	s18 =	sadd.s32 $0x4000, s26;
	[sflag:s8] =	ssyncset.done $0x0  }
0x20: {  	s15 =	sadd.s32 s25, s18;
	[sflag:s8] =	ssyncadd.s32 $0xFFFF8000  }
0x21: {  	[tilespmem:s2], [sflag:$0x1] =	stream.linear.gather [hbm4b:s15+s2], $0x8000, $0x38;
	v63 =	vld [tilespmem:$0x0]  }
0x22: {  	_ =	swait.ge [sflag:s10], $0x8000  }
0x23: {  	[sflag:s10] =	ssyncset.done $0x0  }
0x24: {  	s16 =	sadd.s32 s28, s16;
	[sflag:s10] =	ssyncadd.s32 $0xFFFF8000  }
0x25: {  	[hbm4b:s16+s2] =	stream.linear.scatter [tilespmem:s5], [sflag:$0x4], $0x8000, $0x38;
	v63 =	vld [tilespmem:$0x0]  }
0x26: {  	_ =	swait.ge [sflag:s11], $0x8000  }
0x27: {  	s20 =	sadd.s32 $0x5000, s26;
	[sflag:s11] =	ssyncset.done $0x0  }
0x28: {  	s17 =	sadd.s32 s25, s20;
	[sflag:s11] =	ssyncadd.s32 $0xFFFF8000  }
0x29: {  	[tilespmem:s5], [sflag:$0x2] =	stream.linear.gather [hbm4b:s17+s2], $0x8000, $0x38;
	v63 =	vld [tilespmem:$0x0]  }
0x2a: {  	_ =	swait.ge [sflag:s6], $0x8000  }
0x2b: {  	[sflag:s6] =	ssyncset.done $0x0  }
0x2c: {  	s18 =	sadd.s32 s28, s18;
	[sflag:s6] =	ssyncadd.s32 $0xFFFF8000  }
0x2d: {  	[hbm4b:s18+s2] =	stream.linear.scatter [tilespmem:s2], [sflag:$0x3], $0x8000, $0x38;
	v63 =	vld [tilespmem:$0x0]  }
0x2e: {  	_ =	swait.ge [sflag:s8], $0x8000  }
0x2f: {  	s22 =	sadd.s32 $0x6000, s26;
	[sflag:s8] =	ssyncset.done $0x0  }
0x30: {  	s19 =	sadd.s32 s25, s22;
	[sflag:s8] =	ssyncadd.s32 $0xFFFF8000  }
0x31: {  	[tilespmem:s2], [sflag:$0x1] =	stream.linear.gather [hbm4b:s19+s2], $0x8000, $0x38;
	v63 =	vld [tilespmem:$0x0]  }
0x32: {  	_ =	swait.ge [sflag:s10], $0x8000  }
0x33: {  	[sflag:s10] =	ssyncset.done $0x0  }
0x34: {  	s20 =	sadd.s32 s28, s20;
	[sflag:s10] =	ssyncadd.s32 $0xFFFF8000  }
0x35: {  	[hbm4b:s20+s2] =	stream.linear.scatter [tilespmem:s5], [sflag:$0x4], $0x8000, $0x38;
	v63 =	vld [tilespmem:$0x0]  }
0x36: {  	_ =	swait.ge [sflag:s11], $0x8000  }
0x37: {  	s24 =	sadd.s32 $0x7000, s26;
	[sflag:s11] =	ssyncset.done $0x0  }
0x38: {  	s21 =	sadd.s32 s25, s24;
	[sflag:s11] =	ssyncadd.s32 $0xFFFF8000  }
0x39: {  	[tilespmem:s5], [sflag:$0x2] =	stream.linear.gather [hbm4b:s21+s2], $0x8000, $0x38;
	v63 =	vld [tilespmem:$0x0]  }
0x3a: {  	_ =	swait.ge [sflag:s6], $0x8000  }
0x3b: {  	[sflag:s6] =	ssyncset.done $0x0  }
0x3c: {  	s22 =	sadd.s32 s28, s22;
	[sflag:s6] =	ssyncadd.s32 $0xFFFF8000  }
0x3d: {  	[hbm4b:s22+s2] =	stream.linear.scatter [tilespmem:s2], [sflag:$0x3], $0x8000, $0x38;
	v63 =	vld [tilespmem:$0x0]  }
0x3e: {  	_ =	swait.ge [sflag:s8], $0x8000  }
0x3f: {  	s30 =	sadd.s32 $0x8000, s26;
	[sflag:s8] =	ssyncset.done $0x0  }
0x40: {  	s23 =	sadd.s32 s25, s30;
	[sflag:s8] =	ssyncadd.s32 $0xFFFF8000  }
0x41: {  	[tilespmem:s2], [sflag:$0x1] =	stream.linear.gather [hbm4b:s23+s2], $0x8000, $0x38;
	v63 =	vld [tilespmem:$0x0]  }
0x42: {  	_ =	swait.ge [sflag:s10], $0x8000  }
0x43: {  	[sflag:s10] =	ssyncset.done $0x0  }
0x44: {  	s24 =	sadd.s32 s28, s24;
	[sflag:s10] =	ssyncadd.s32 $0xFFFF8000  }
0x45: {  	[hbm4b:s24+s2] =	stream.linear.scatter [tilespmem:s5], [sflag:$0x4], $0x8000, $0x38;
	v63 =	vld [tilespmem:$0x0]  }
0x46: {  	_ =	swait.ge [sflag:s11], $0x8000  }
0x47: {  	s31 =	sadd.s32 $0x9000, s26;
	[sflag:s11] =	ssyncset.done $0x0  }
0x48: {  	s25 =	sadd.s32 s25, s31;
	[sflag:s11] =	ssyncadd.s32 $0xFFFF8000  }
0x49: {  	[tilespmem:s5], [sflag:$0x2] =	stream.linear.gather [hbm4b:s25+s2], $0x8000, $0x38;
	v63 =	vld [tilespmem:$0x0]  }
0x4a: {  	_ =	swait.ge [sflag:s6], $0x8000  }
0x4b: {  	s29 =	ssub.s32 $0x2, s29;
	s26 =	sadd.s32 s28, s30;
	[sflag:s6] =	ssyncset.done $0x0  }
0x4c: {  	s28 =	sadd.s32 s28, s31;
	s31 =	sshrl.u32 s29, $0x1;
	[sflag:s6] =	ssyncadd.s32 $0xFFFF8000  }
0x4d: {  	[hbm4b:s26+s2] =	stream.linear.scatter [tilespmem:s2], [sflag:$0x3], $0x8000, $0x38;
	v63 =	vld [tilespmem:$0x0]  }
0x4e: {  	s29 =	ssub.s32 s29, s31;
	_ =	swait.ge [sflag:s10], $0x8000  }
0x4f: {  	s29 =	smax.u32 s29, $0x1;
	[sflag:s10] =	ssyncset.done $0x0  }
0x50: {  	p0 =	sne.s32 s29, $0x1;
	[sflag:s10] =	ssyncadd.s32 $0xFFFF8000  }
0x51: {  	[hbm4b:s28+s2] =	stream.linear.scatter [tilespmem:s5], [sflag:$0x4], $0x8000, $0x38;
	v63 =	vld [tilespmem:$0x0]  }
.Ltmp0:
0x52: {  	_ =	swait.ge [sflag:s8], $0x8000;
	(pc) =	sbr.rel @!p0 .LBB2_2-.Ltmp0, $4  }
0x53: {  	[sflag:s8] =	ssyncset.done $0x0  }
0x54: {  	[sflag:s8] =	ssyncadd.s32 $0xFFFF8000  }
0x55: {  	_ =	swait.ge [sflag:s11], $0x8000  }
0x56: {  	s29 =	sadd.s32 $0xFFFFFFFF, s29;
	[sflag:s11] =	ssyncset.done $0x0  }
.LBB2_1:
0x57: {  	p0 =	sne.s32 s29, $0x1;
	s29 =	sadd.s32 $0xFFFFFFFF, s29;
	[sflag:s11] =	ssyncadd.s32 $0xFFFF8000  }
0x58: {  	[tilespmem:s2], [sflag:$0x1] =	stream.linear.gather [hbm4b:s3+s2], $0x8000, $0x38;
	v63 =	vld [tilespmem:$0x0]  }
0x59: {  	_ = 	snop  }
0x5a: {  	[tilespmem:s5], [sflag:$0x2] =	stream.linear.gather [hbm4b:s4+s2], $0x8000, $0x38;
	v63 =	vld [tilespmem:$0x0]  }
0x5b: {  	_ =	swait.ge [sflag:s6], $0x8000  }
0x5c: {  	[sflag:s6] =	ssyncset.done $0x0  }
0x5d: {  	[sflag:s6] =	ssyncadd.s32 $0xFFFF8000  }
0x5e: {  	[hbm4b:s7+s2] =	stream.linear.scatter [tilespmem:s2], [sflag:$0x3], $0x8000, $0x38;
	v63 =	vld [tilespmem:$0x0]  }
0x5f: {  	_ =	swait.ge [sflag:s8], $0x8000  }
0x60: {  	[sflag:s8] =	ssyncset.done $0x0  }
0x61: {  	[sflag:s8] =	ssyncadd.s32 $0xFFFF8000  }
0x62: {  	[tilespmem:s2], [sflag:$0x1] =	stream.linear.gather [hbm4b:s9+s2], $0x8000, $0x38;
	v63 =	vld [tilespmem:$0x0]  }
0x63: {  	_ =	swait.ge [sflag:s10], $0x8000  }
0x64: {  	[sflag:s10] =	ssyncset.done $0x0  }
0x65: {  	[sflag:s10] =	ssyncadd.s32 $0xFFFF8000  }
0x66: {  	[hbm4b:s12+s2] =	stream.linear.scatter [tilespmem:s5], [sflag:$0x4], $0x8000, $0x38;
	v63 =	vld [tilespmem:$0x0]  }
0x67: {  	_ =	swait.ge [sflag:s11], $0x8000  }
0x68: {  	[sflag:s11] =	ssyncset.done $0x0  }
0x69: {  	[sflag:s11] =	ssyncadd.s32 $0xFFFF8000  }
0x6a: {  	[tilespmem:s5], [sflag:$0x2] =	stream.linear.gather [hbm4b:s13+s2], $0x8000, $0x38;
	v63 =	vld [tilespmem:$0x0]  }
0x6b: {  	_ =	swait.ge [sflag:s6], $0x8000  }
0x6c: {  	[sflag:s6] =	ssyncset.done $0x0  }
0x6d: {  	[sflag:s6] =	ssyncadd.s32 $0xFFFF8000  }
0x6e: {  	[hbm4b:s14+s2] =	stream.linear.scatter [tilespmem:s2], [sflag:$0x3], $0x8000, $0x38;
	v63 =	vld [tilespmem:$0x0]  }
0x6f: {  	_ =	swait.ge [sflag:s8], $0x8000  }
0x70: {  	[sflag:s8] =	ssyncset.done $0x0  }
0x71: {  	[sflag:s8] =	ssyncadd.s32 $0xFFFF8000  }
0x72: {  	[tilespmem:s2], [sflag:$0x1] =	stream.linear.gather [hbm4b:s15+s2], $0x8000, $0x38;
	v63 =	vld [tilespmem:$0x0]  }
0x73: {  	_ =	swait.ge [sflag:s10], $0x8000  }
0x74: {  	[sflag:s10] =	ssyncset.done $0x0  }
0x75: {  	[sflag:s10] =	ssyncadd.s32 $0xFFFF8000  }
0x76: {  	[hbm4b:s16+s2] =	stream.linear.scatter [tilespmem:s5], [sflag:$0x4], $0x8000, $0x38;
	v63 =	vld [tilespmem:$0x0]  }
0x77: {  	_ =	swait.ge [sflag:s11], $0x8000  }
0x78: {  	[sflag:s11] =	ssyncset.done $0x0  }
0x79: {  	[sflag:s11] =	ssyncadd.s32 $0xFFFF8000  }
0x7a: {  	[tilespmem:s5], [sflag:$0x2] =	stream.linear.gather [hbm4b:s17+s2], $0x8000, $0x38;
	v63 =	vld [tilespmem:$0x0]  }
0x7b: {  	_ =	swait.ge [sflag:s6], $0x8000  }
0x7c: {  	[sflag:s6] =	ssyncset.done $0x0  }
0x7d: {  	[sflag:s6] =	ssyncadd.s32 $0xFFFF8000  }
0x7e: {  	[hbm4b:s18+s2] =	stream.linear.scatter [tilespmem:s2], [sflag:$0x3], $0x8000, $0x38;
	v63 =	vld [tilespmem:$0x0]  }
0x7f: {  	_ =	swait.ge [sflag:s8], $0x8000  }
0x80: {  	[sflag:s8] =	ssyncset.done $0x0  }
0x81: {  	[sflag:s8] =	ssyncadd.s32 $0xFFFF8000  }
0x82: {  	[tilespmem:s2], [sflag:$0x1] =	stream.linear.gather [hbm4b:s19+s2], $0x8000, $0x38;
	v63 =	vld [tilespmem:$0x0]  }
0x83: {  	_ =	swait.ge [sflag:s10], $0x8000  }
0x84: {  	[sflag:s10] =	ssyncset.done $0x0  }
0x85: {  	[sflag:s10] =	ssyncadd.s32 $0xFFFF8000  }
0x86: {  	[hbm4b:s20+s2] =	stream.linear.scatter [tilespmem:s5], [sflag:$0x4], $0x8000, $0x38;
	v63 =	vld [tilespmem:$0x0]  }
0x87: {  	_ =	swait.ge [sflag:s11], $0x8000  }
0x88: {  	[sflag:s11] =	ssyncset.done $0x0  }
0x89: {  	[sflag:s11] =	ssyncadd.s32 $0xFFFF8000  }
0x8a: {  	[tilespmem:s5], [sflag:$0x2] =	stream.linear.gather [hbm4b:s21+s2], $0x8000, $0x38;
	v63 =	vld [tilespmem:$0x0]  }
0x8b: {  	_ =	swait.ge [sflag:s6], $0x8000  }
0x8c: {  	[sflag:s6] =	ssyncset.done $0x0  }
0x8d: {  	[sflag:s6] =	ssyncadd.s32 $0xFFFF8000  }
0x8e: {  	[hbm4b:s22+s2] =	stream.linear.scatter [tilespmem:s2], [sflag:$0x3], $0x8000, $0x38;
	v63 =	vld [tilespmem:$0x0]  }
0x8f: {  	_ =	swait.ge [sflag:s8], $0x8000  }
0x90: {  	[sflag:s8] =	ssyncset.done $0x0  }
0x91: {  	[sflag:s8] =	ssyncadd.s32 $0xFFFF8000  }
0x92: {  	[tilespmem:s2], [sflag:$0x1] =	stream.linear.gather [hbm4b:s23+s2], $0x8000, $0x38;
	v63 =	vld [tilespmem:$0x0]  }
0x93: {  	_ =	swait.ge [sflag:s10], $0x8000  }
0x94: {  	[sflag:s10] =	ssyncset.done $0x0  }
0x95: {  	[sflag:s10] =	ssyncadd.s32 $0xFFFF8000  }
0x96: {  	[hbm4b:s24+s2] =	stream.linear.scatter [tilespmem:s5], [sflag:$0x4], $0x8000, $0x38;
	v63 =	vld [tilespmem:$0x0]  }
0x97: {  	_ =	swait.ge [sflag:s11], $0x8000  }
0x98: {  	[sflag:s11] =	ssyncset.done $0x0  }
0x99: {  	[sflag:s11] =	ssyncadd.s32 $0xFFFF8000  }
0x9a: {  	[tilespmem:s5], [sflag:$0x2] =	stream.linear.gather [hbm4b:s25+s2], $0x8000, $0x38;
	v63 =	vld [tilespmem:$0x0]  }
0x9b: {  	_ =	swait.ge [sflag:s6], $0x8000  }
0x9c: {  	[sflag:s6] =	ssyncset.done $0x0  }
0x9d: {  	[sflag:s6] =	ssyncadd.s32 $0xFFFF8000  }
0x9e: {  	[hbm4b:s26+s2] =	stream.linear.scatter [tilespmem:s2], [sflag:$0x3], $0x8000, $0x38;
	v63 =	vld [tilespmem:$0x0]  }
0x9f: {  	_ =	swait.ge [sflag:s10], $0x8000  }
0xa0: {  	[sflag:s10] =	ssyncset.done $0x0  }
0xa1: {  	[sflag:s10] =	ssyncadd.s32 $0xFFFF8000  }
0xa2: {  	[hbm4b:s28+s2] =	stream.linear.scatter [tilespmem:s5], [sflag:$0x4], $0x8000, $0x38;
	v63 =	vld [tilespmem:$0x0]  }
.Ltmp1:
0xa3: {  	_ =	swait.ge [sflag:s8], $0x8000;
	(pc) =	sbr.rel @p0 .LBB2_1-.Ltmp1, $4  }
0xa4: {  	[sflag:s8] =	ssyncset.done $0x0  }
0xa5: {  	[sflag:s8] =	ssyncadd.s32 $0xFFFF8000  }
0xa6: {  	_ =	swait.ge [sflag:s11], $0x8000  }
0xa7: {  	[sflag:s11] =	ssyncset.done $0x0  }
.LBB2_2:
0xa8: {  	[sflag:s11] =	ssyncadd.s32 $0xFFFF8000  }
0xa9: {  	_ =	sfence.sel $0x180000  }
0xaa: {  	[bflag:$0x0] =	sbarrier.arrive $0xFFFF  }
0xab: {  	p0 =	sne.s32 s0, $0x0;
	_ =	strace $0x90000047  }
0xac: {  	s0 =	sadd.s32 @!p0 $0x100000, s1;
	[bflag:$0x2] =	sbarrier.arrive $0xFFFF  }
0xad: {  	[sflag:s0] =	ssyncadd.tile.s32 @!p0 $0x1;
	_ =	shalt  }
.Lfunc_end2:
_tile_overlayer_lowered:
.L_overlay_start_2:
0xae: {  	(tag) =	ssettag $0x2  }
0xaf: {  	s0 =	rddreg [dreg:$0x0];
	s2 =	stileid.u32  }
0xb0: {  	s1 =	rddreg [dreg:$0x1];
	p0 =	sne.s32 s2, $0x0  }
0xb1: {  	s3 =	rddreg [dreg:$0x2];
	[bflag:$0x3] =	sbarrier.arrive $0xFFFF;
	s2 =	simm.s32 @!p0 $0x1C05  }
0xb2: {  	[timem:s3], [sflag:s2] =	dma.local @!p0 [hbm:s0], s1  }
0xb3: {  	s0 =	simm.s32 @!p0 $0x5  }
0xb4: {  	_ =	swait.ge @!p0 [sflag:s0], s1  }
0xb5: {  	s1 =	ssub.s32 @!p0 $0x0, s1;
	[sflag:s0] =	ssyncset.done @!p0 $0x0  }
0xb6: {  	[sflag:s0] =	ssyncadd.s32 @!p0 s1  }
0xb7: {  	[bflag:$0x3] =	sbarrier.arrive $0xFFFF  }
0xb8: {  	_ =	shalt  }

</sc_bundles>
